<compile_context>
chip_gen: v7x
topology: tpu7x:2x2x1
jax: 0.10.2.dev20260603
libtpu: 0.0.44.dev20260713+nightly
codegen_flags: <defaults>
</compile_context>

<pallas_src>
import functools

import jax
import jax.numpy as jnp
from jax import lax
from jax.experimental import pallas as pl
from jax.experimental.pallas import tpu as pltpu
from jax.experimental.pallas import tpu_sc as plsc

_NSETS = 4


@functools.lru_cache(maxsize=None)
def _build_gather(V, D, E, chunk):
    info = plsc.get_sparse_core_info()
    NC, NS = info.num_cores, info.num_subcores
    NW = NC * NS
    assert E % NW == 0
    e_per_w = E // NW
    assert e_per_w % chunk == 0 and chunk % 8 == 0
    nchunks = e_per_w // chunk
    assert nchunks > 2 * _NSETS
    nrounds = (nchunks + _NSETS - 1) // _NSETS
    v_per_s = (V // NS) // 8 * 8
    v_last = V - v_per_s * (NS - 1)
    mesh = plsc.VectorSubcoreMesh(core_axis_name="c", subcore_axis_name="s")

    scratch = [pltpu.VMEM_SHARED((V, D), jnp.float32)]
    scratch += [pltpu.VMEM((chunk,), jnp.int32) for _ in range(2 * _NSETS)]
    scratch += [pltpu.VMEM((chunk, D), jnp.float32) for _ in range(2 * _NSETS)]
    scratch += [pltpu.SemaphoreType.DMA for _ in range(6 * _NSETS)]

    @functools.partial(
        pl.kernel,
        mesh=mesh,
        out_type=jax.ShapeDtypeStruct((E, 2 * D), jnp.float32),
        scratch_types=scratch,
    )
    def gather_kernel(table_hbm, idx_hbm, out_hbm, table_s, *bufs):
        sidx = bufs[0:2 * _NSETS:2]
        tidx = bufs[1:2 * _NSETS:2]
        srows = bufs[2 * _NSETS:4 * _NSETS:2]
        trows = bufs[2 * _NSETS + 1:4 * _NSETS:2]
        sems = bufs[4 * _NSETS:]
        isem = (sems[0:2 * _NSETS:2], sems[1:2 * _NSETS:2])
        gsem = (sems[2 * _NSETS:4 * _NSETS:2], sems[2 * _NSETS + 1:4 * _NSETS:2])
        wsem = (sems[4 * _NSETS:6 * _NSETS:2], sems[4 * _NSETS + 1:6 * _NSETS:2])

        sub = lax.axis_index("s")
        wid = sub * NC + lax.axis_index("c")
        base = wid * e_per_w

        row0 = sub * v_per_s
        nrow = jnp.where(sub == NS - 1, v_last, v_per_s)
        pltpu.sync_copy(
            table_hbm.at[pl.ds(row0, nrow)], table_s.at[pl.ds(row0, nrow)]
        )
        plsc.subcore_barrier()

        def i_copies(g, k):
            off = base + g * chunk
            return (
                pltpu.make_async_copy(
                    idx_hbm.at[pl.ds(off, chunk)], sidx[k], isem[0][k]
                ),
                pltpu.make_async_copy(
                    idx_hbm.at[pl.ds(E + off, chunk)], tidx[k], isem[1][k]
                ),
            )

        def g_copies(k):
            return (
                pltpu.make_async_copy(table_s.at[sidx[k]], srows[k], gsem[0][k]),
                pltpu.make_async_copy(table_s.at[tidx[k]], trows[k], gsem[1][k]),
            )

        def w_copies(g, k):
            orow = base + g * chunk
            return (
                pltpu.make_async_copy(
                    srows[k], out_hbm.at[pl.ds(orow, chunk), pl.ds(0, D)],
                    wsem[0][k],
                ),
                pltpu.make_async_copy(
                    trows[k], out_hbm.at[pl.ds(orow, chunk), pl.ds(D, D)],
                    wsem[1][k],
                ),
            )

        def start(copies):
            for c in copies:
                c.start()

        def wait(copies):
            for c in copies:
                c.wait()

        for k in range(_NSETS):
            start(i_copies(k, k))
        wait(i_copies(0, 0))
        start(g_copies(0))
        wait(i_copies(1, 1))
        start(g_copies(1))

        def slot(s, k):
            @pl.when(s < nchunks)
            def _():
                wait(g_copies(k))
                start(w_copies(s, k))

                @pl.when(s + _NSETS < nchunks)
                def _():
                    start(i_copies(s + _NSETS, k))

                @pl.when(s + 2 < nchunks)
                def _():
                    k2 = (k + 2) % _NSETS
                    wait(i_copies(s + 2, k2))

                    @pl.when(s >= 2)
                    def _():
                        wait(w_copies(s - 2, k2))

                    start(g_copies(k2))

        def body(r, carry):
            s0 = r * _NSETS
            for k in range(_NSETS):
                slot(s0 + k, k)
            return carry

        lax.fori_loop(0, nrounds, body, 0, unroll=False)

        for g in range(nchunks - 4, nchunks):
            wait(w_copies(g, g % _NSETS))

    return gather_kernel


def kernel(x_gat_fin, edge_index):
    V, D = x_gat_fin.shape
    E = edge_index.shape[1]
    idx = edge_index.astype(jnp.int32).reshape(-1)
    return _build_gather(V, D, E, 40)(x_gat_fin, idx)

# --- scband reference (transcript-rebuilt; emitter-appended) ---
"""Pipeline reference for scband-edge-index-to-features-86723979641042 (READ-ONLY COPY).

The authoritative reference and input builder live on the scoring server;
editing this copy changes nothing except your own understanding.
"""

import jax, jax.numpy as jnp
import numpy as np


def setup_inputs(seed: int = 0) -> dict:
    key = jax.random.key(seed)
    k1, k2 = jax.random.split(key)
    x_gat_fin = jax.random.normal(k1, (10000, 128), dtype=jnp.float32)
    edge_index = jax.random.randint(k2, (2, 320000), 0, 10000, dtype=jnp.int64)
    return {"x_gat_fin": x_gat_fin, "edge_index": edge_index}


def reference(x_gat_fin, edge_index):
    source_indices = edge_index[0]
    target_indices = edge_index[1]
    source_embeddings = jnp.take(x_gat_fin, source_indices, axis=0)
    target_embeddings = jnp.take(x_gat_fin, target_indices, axis=0)
    edge_features = jnp.concatenate([source_embeddings, target_embeddings], axis=-1)
    return edge_features

if __name__ == "__main__":
    import jax
    _d = setup_inputs()
    print(jax.jit(kernel)(*tuple(_d.values())))

</pallas_src>

<mosaic_0001>
#map = affine_map<(d0, d1) -> (0, 0)>
#map1 = affine_map<(d0, d1) -> (0)>
module attributes {stable_mosaic.version = 14 : i64} {
  func.func @gather_kernel(%arg0: i32, %arg1: i32, %arg2: memref<10000x128xf32, #tpu.memory_space<hbm>>, %arg3: memref<640000xi32, #tpu.memory_space<hbm>>, %arg4: memref<320000x256xf32, #tpu.memory_space<hbm>>, %arg5: memref<10000x128xf32, #tpu.memory_space<vmem_shared>>, %arg6: memref<40xi32, #tpu.memory_space<vmem>>, %arg7: memref<40xi32, #tpu.memory_space<vmem>>, %arg8: memref<40xi32, #tpu.memory_space<vmem>>, %arg9: memref<40xi32, #tpu.memory_space<vmem>>, %arg10: memref<40xi32, #tpu.memory_space<vmem>>, %arg11: memref<40xi32, #tpu.memory_space<vmem>>, %arg12: memref<40xi32, #tpu.memory_space<vmem>>, %arg13: memref<40xi32, #tpu.memory_space<vmem>>, %arg14: memref<40x128xf32, #tpu.memory_space<vmem>>, %arg15: memref<40x128xf32, #tpu.memory_space<vmem>>, %arg16: memref<40x128xf32, #tpu.memory_space<vmem>>, %arg17: memref<40x128xf32, #tpu.memory_space<vmem>>, %arg18: memref<40x128xf32, #tpu.memory_space<vmem>>, %arg19: memref<40x128xf32, #tpu.memory_space<vmem>>, %arg20: memref<40x128xf32, #tpu.memory_space<vmem>>, %arg21: memref<40x128xf32, #tpu.memory_space<vmem>>, %arg22: memref<!tpu.dma_semaphore, #tpu.memory_space<semaphore_mem>>, %arg23: memref<!tpu.dma_semaphore, #tpu.memory_space<semaphore_mem>>, %arg24: memref<!tpu.dma_semaphore, #tpu.memory_space<semaphore_mem>>, %arg25: memref<!tpu.dma_semaphore, #tpu.memory_space<semaphore_mem>>, %arg26: memref<!tpu.dma_semaphore, #tpu.memory_space<semaphore_mem>>, %arg27: memref<!tpu.dma_semaphore, #tpu.memory_space<semaphore_mem>>, %arg28: memref<!tpu.dma_semaphore, #tpu.memory_space<semaphore_mem>>, %arg29: memref<!tpu.dma_semaphore, #tpu.memory_space<semaphore_mem>>, %arg30: memref<!tpu.dma_semaphore, #tpu.memory_space<semaphore_mem>>, %arg31: memref<!tpu.dma_semaphore, #tpu.memory_space<semaphore_mem>>, %arg32: memref<!tpu.dma_semaphore, #tpu.memory_space<semaphore_mem>>, %arg33: memref<!tpu.dma_semaphore, #tpu.memory_space<semaphore_mem>>, %arg34: memref<!tpu.dma_semaphore, #tpu.memory_space<semaphore_mem>>, %arg35: memref<!tpu.dma_semaphore, #tpu.memory_space<semaphore_mem>>, %arg36: memref<!tpu.dma_semaphore, #tpu.memory_space<semaphore_mem>>, %arg37: memref<!tpu.dma_semaphore, #tpu.memory_space<semaphore_mem>>, %arg38: memref<!tpu.dma_semaphore, #tpu.memory_space<semaphore_mem>>, %arg39: memref<!tpu.dma_semaphore, #tpu.memory_space<semaphore_mem>>, %arg40: memref<!tpu.dma_semaphore, #tpu.memory_space<semaphore_mem>>, %arg41: memref<!tpu.dma_semaphore, #tpu.memory_space<semaphore_mem>>, %arg42: memref<!tpu.dma_semaphore, #tpu.memory_space<semaphore_mem>>, %arg43: memref<!tpu.dma_semaphore, #tpu.memory_space<semaphore_mem>>, %arg44: memref<!tpu.dma_semaphore, #tpu.memory_space<semaphore_mem>>, %arg45: memref<!tpu.dma_semaphore, #tpu.memory_space<semaphore_mem>>) attributes {dimension_semantics = [#tpu.dimension_semantics<core_parallel>, #tpu.dimension_semantics<subcore_parallel>], iteration_bounds = array<i64: 2, 16>, scalar_prefetch = 0 : i64, scratch_operands = 41 : i64, tpu.core_type = #tpu.core_type<sc_vector_subcore>, window_params = [{transform_indices = #map}, {transform_indices = #map1}, {transform_indices = #map}]} {
    %mul3A = arith.constant 2 : i32
    %mul3A_0 = arith.muli %arg1, %mul3A : i32
    %add3A = arith.addi %mul3A_0, %arg0 : i32
    %mul3A_1 = arith.constant 10000 : i32
    %mul3A_2 = arith.muli %add3A, %mul3A_1 : i32
    %mul3A_3 = arith.constant 624 : i32
    %mul3A_4 = arith.muli %arg1, %mul3A_3 : i32
    %eq3A = arith.constant 15 : i32
    %eq3A_5 = arith.cmpi eq, %arg1, %eq3A : i32
    %jit3A = arith.constant 640 : i32
    %jit3A_6 = arith.constant 624 : i32
    %select_n3A = arith.select %eq3A_5, %jit3A, %jit3A_6 : i32
    "tpu.region"() ({
      %run_scoped3A = tpu.sem_alloc : memref<!tpu.dma_semaphore, #tpu.memory_space<semaphore_mem>>
      %dma_start3A_110 = arith.constant 0 : i32
      %dma_start3A_111 = tpu.memref_slice %arg5[%mul3A_4, %dma_start3A_110] <%select_n3A> : memref<10000x128xf32, #tpu.memory_space<vmem_shared>> -> memref<?x128xf32, #tpu.memory_space<vmem_shared>>
      %dma_start3A_112 = arith.constant 0 : i32
      %dma_start3A_113 = tpu.memref_slice %arg2[%mul3A_4, %dma_start3A_112] <%select_n3A> : memref<10000x128xf32, #tpu.memory_space<hbm>> -> memref<?x128xf32, #tpu.memory_space<hbm>>
      tpu.enqueue_dma source(%dma_start3A_113 : memref<?x128xf32, #tpu.memory_space<hbm>>) target(%dma_start3A_111 : memref<?x128xf32, #tpu.memory_space<vmem_shared>>) target_semaphore(%run_scoped3A : memref<!tpu.dma_semaphore, #tpu.memory_space<semaphore_mem>>)
      %dma_wait3A_114 = arith.constant 0 : i32
      %dma_wait3A_115 = tpu.memref_slice %arg5[%mul3A_4, %dma_wait3A_114] <%select_n3A> : memref<10000x128xf32, #tpu.memory_space<vmem_shared>> -> memref<?x128xf32, #tpu.memory_space<vmem_shared>>
      %dma_wait3A_116 = arith.constant 0 : i32
      %dma_wait3A_117 = tpu.memref_slice %arg2[%mul3A_4, %dma_wait3A_116] <%select_n3A> : memref<10000x128xf32, #tpu.memory_space<hbm>> -> memref<?x128xf32, #tpu.memory_space<hbm>>
      tpu.wait_dma2 semaphore(%run_scoped3A : memref<!tpu.dma_semaphore, #tpu.memory_space<semaphore_mem>>) src(%dma_wait3A_117 : memref<?x128xf32, #tpu.memory_space<hbm>>) dst(%dma_wait3A_115 : memref<?x128xf32, #tpu.memory_space<vmem_shared>>)
      tpu.yield
    }) : () -> ()
    %barrier3A = arith.constant 0 : index
    tpu.barrier barrier_id(%barrier3A)
    %add3A_7 = arith.constant 0 : i32
    %add3A_8 = arith.addi %mul3A_2, %add3A_7 : i32
    %add3A_9 = arith.constant 320000 : i32
    %add3A_10 = arith.addi %add3A_9, %add3A_8 : i32
    %dma_start3A = tpu.memref_slice %arg3[%add3A_8] : memref<640000xi32, #tpu.memory_space<hbm>> -> memref<40xi32, #tpu.memory_space<hbm>>
    %dma_start3A_11 = tpu.memref_slice %arg3[%add3A_8] : memref<640000xi32, #tpu.memory_space<hbm>> -> memref<40xi32, #tpu.memory_space<hbm>>
    tpu.enqueue_dma source(%dma_start3A_11 : memref<40xi32, #tpu.memory_space<hbm>>) target(%arg6 : memref<40xi32, #tpu.memory_space<vmem>>) target_semaphore(%arg22 : memref<!tpu.dma_semaphore, #tpu.memory_space<semaphore_mem>>)
    %dma_start3A_12 = tpu.memref_slice %arg3[%add3A_10] : memref<640000xi32, #tpu.memory_space<hbm>> -> memref<40xi32, #tpu.memory_space<hbm>>
    %dma_start3A_13 = tpu.memref_slice %arg3[%add3A_10] : memref<640000xi32, #tpu.memory_space<hbm>> -> memref<40xi32, #tpu.memory_space<hbm>>
    tpu.enqueue_dma source(%dma_start3A_13 : memref<40xi32, #tpu.memory_space<hbm>>) target(%arg7 : memref<40xi32, #tpu.memory_space<vmem>>) target_semaphore(%arg23 : memref<!tpu.dma_semaphore, #tpu.memory_space<semaphore_mem>>)
    %add3A_14 = arith.constant 40 : i32
    %add3A_15 = arith.addi %mul3A_2, %add3A_14 : i32
    %add3A_16 = arith.constant 320000 : i32
    %add3A_17 = arith.addi %add3A_16, %add3A_15 : i32
    %dma_start3A_18 = tpu.memref_slice %arg3[%add3A_15] : memref<640000xi32, #tpu.memory_space<hbm>> -> memref<40xi32, #tpu.memory_space<hbm>>
    %dma_start3A_19 = tpu.memref_slice %arg3[%add3A_15] : memref<640000xi32, #tpu.memory_space<hbm>> -> memref<40xi32, #tpu.memory_space<hbm>>
    tpu.enqueue_dma source(%dma_start3A_19 : memref<40xi32, #tpu.memory_space<hbm>>) target(%arg8 : memref<40xi32, #tpu.memory_space<vmem>>) target_semaphore(%arg24 : memref<!tpu.dma_semaphore, #tpu.memory_space<semaphore_mem>>)
    %dma_start3A_20 = tpu.memref_slice %arg3[%add3A_17] : memref<640000xi32, #tpu.memory_space<hbm>> -> memref<40xi32, #tpu.memory_space<hbm>>
    %dma_start3A_21 = tpu.memref_slice %arg3[%add3A_17] : memref<640000xi32, #tpu.memory_space<hbm>> -> memref<40xi32, #tpu.memory_space<hbm>>
    tpu.enqueue_dma source(%dma_start3A_21 : memref<40xi32, #tpu.memory_space<hbm>>) target(%arg9 : memref<40xi32, #tpu.memory_space<vmem>>) target_semaphore(%arg25 : memref<!tpu.dma_semaphore, #tpu.memory_space<semaphore_mem>>)
    %add3A_22 = arith.constant 80 : i32
    %add3A_23 = arith.addi %mul3A_2, %add3A_22 : i32
    %add3A_24 = arith.constant 320000 : i32
    %add3A_25 = arith.addi %add3A_24, %add3A_23 : i32
    %dma_start3A_26 = tpu.memref_slice %arg3[%add3A_23] : memref<640000xi32, #tpu.memory_space<hbm>> -> memref<40xi32, #tpu.memory_space<hbm>>
    %dma_start3A_27 = tpu.memref_slice %arg3[%add3A_23] : memref<640000xi32, #tpu.memory_space<hbm>> -> memref<40xi32, #tpu.memory_space<hbm>>
    tpu.enqueue_dma source(%dma_start3A_27 : memref<40xi32, #tpu.memory_space<hbm>>) target(%arg10 : memref<40xi32, #tpu.memory_space<vmem>>) target_semaphore(%arg26 : memref<!tpu.dma_semaphore, #tpu.memory_space<semaphore_mem>>)
    %dma_start3A_28 = tpu.memref_slice %arg3[%add3A_25] : memref<640000xi32, #tpu.memory_space<hbm>> -> memref<40xi32, #tpu.memory_space<hbm>>
    %dma_start3A_29 = tpu.memref_slice %arg3[%add3A_25] : memref<640000xi32, #tpu.memory_space<hbm>> -> memref<40xi32, #tpu.memory_space<hbm>>
    tpu.enqueue_dma source(%dma_start3A_29 : memref<40xi32, #tpu.memory_space<hbm>>) target(%arg11 : memref<40xi32, #tpu.memory_space<vmem>>) target_semaphore(%arg27 : memref<!tpu.dma_semaphore, #tpu.memory_space<semaphore_mem>>)
    %add3A_30 = arith.constant 120 : i32
    %add3A_31 = arith.addi %mul3A_2, %add3A_30 : i32
    %add3A_32 = arith.constant 320000 : i32
    %add3A_33 = arith.addi %add3A_32, %add3A_31 : i32
    %dma_start3A_34 = tpu.memref_slice %arg3[%add3A_31] : memref<640000xi32, #tpu.memory_space<hbm>> -> memref<40xi32, #tpu.memory_space<hbm>>
    %dma_start3A_35 = tpu.memref_slice %arg3[%add3A_31] : memref<640000xi32, #tpu.memory_space<hbm>> -> memref<40xi32, #tpu.memory_space<hbm>>
    tpu.enqueue_dma source(%dma_start3A_35 : memref<40xi32, #tpu.memory_space<hbm>>) target(%arg12 : memref<40xi32, #tpu.memory_space<vmem>>) target_semaphore(%arg28 : memref<!tpu.dma_semaphore, #tpu.memory_space<semaphore_mem>>)
    %dma_start3A_36 = tpu.memref_slice %arg3[%add3A_33] : memref<640000xi32, #tpu.memory_space<hbm>> -> memref<40xi32, #tpu.memory_space<hbm>>
    %dma_start3A_37 = tpu.memref_slice %arg3[%add3A_33] : memref<640000xi32, #tpu.memory_space<hbm>> -> memref<40xi32, #tpu.memory_space<hbm>>
    tpu.enqueue_dma source(%dma_start3A_37 : memref<40xi32, #tpu.memory_space<hbm>>) target(%arg13 : memref<40xi32, #tpu.memory_space<vmem>>) target_semaphore(%arg29 : memref<!tpu.dma_semaphore, #tpu.memory_space<semaphore_mem>>)
    %add3A_38 = arith.constant 0 : i32
    %add3A_39 = arith.addi %mul3A_2, %add3A_38 : i32
    %add3A_40 = arith.constant 320000 : i32
    %add3A_41 = arith.addi %add3A_40, %add3A_39 : i32
    %dma_wait3A = tpu.memref_slice %arg3[%add3A_39] : memref<640000xi32, #tpu.memory_space<hbm>> -> memref<40xi32, #tpu.memory_space<hbm>>
    %dma_wait3A_42 = tpu.memref_slice %arg3[%add3A_39] : memref<640000xi32, #tpu.memory_space<hbm>> -> memref<40xi32, #tpu.memory_space<hbm>>
    tpu.wait_dma2 semaphore(%arg22 : memref<!tpu.dma_semaphore, #tpu.memory_space<semaphore_mem>>) src(%dma_wait3A_42 : memref<40xi32, #tpu.memory_space<hbm>>) dst(%arg6 : memref<40xi32, #tpu.memory_space<vmem>>)
    %dma_wait3A_43 = tpu.memref_slice %arg3[%add3A_41] : memref<640000xi32, #tpu.memory_space<hbm>> -> memref<40xi32, #tpu.memory_space<hbm>>
    %dma_wait3A_44 = tpu.memref_slice %arg3[%add3A_41] : memref<640000xi32, #tpu.memory_space<hbm>> -> memref<40xi32, #tpu.memory_space<hbm>>
    tpu.wait_dma2 semaphore(%arg23 : memref<!tpu.dma_semaphore, #tpu.memory_space<semaphore_mem>>) src(%dma_wait3A_44 : memref<40xi32, #tpu.memory_space<hbm>>) dst(%arg7 : memref<40xi32, #tpu.memory_space<vmem>>)
    %dma_start3A_45 = arith.constant 0 : i32
    %dma_start3A_46 = arith.constant 0 : i32
    %dma_start3A_47 = tpu.memref_slice %arg5[%dma_start3A_45, %dma_start3A_46] : memref<10000x128xf32, #tpu.memory_space<vmem_shared>> -> memref<10000x128xf32, #tpu.memory_space<vmem_shared>>
    tpu.enqueue_indirect_dma source(%dma_start3A_47 : memref<10000x128xf32, #tpu.memory_space<vmem_shared>>) target(%arg14 : memref<40x128xf32, #tpu.memory_space<vmem>>) offsets(%arg6 : memref<40xi32, #tpu.memory_space<vmem>>) semaphore(%arg30 : memref<!tpu.dma_semaphore, #tpu.memory_space<semaphore_mem>>)
    %dma_start3A_48 = arith.constant 0 : i32
    %dma_start3A_49 = arith.constant 0 : i32
    %dma_start3A_50 = tpu.memref_slice %arg5[%dma_start3A_48, %dma_start3A_49] : memref<10000x128xf32, #tpu.memory_space<vmem_shared>> -> memref<10000x128xf32, #tpu.memory_space<vmem_shared>>
    tpu.enqueue_indirect_dma source(%dma_start3A_50 : memref<10000x128xf32, #tpu.memory_space<vmem_shared>>) target(%arg15 : memref<40x128xf32, #tpu.memory_space<vmem>>) offsets(%arg7 : memref<40xi32, #tpu.memory_space<vmem>>) semaphore(%arg31 : memref<!tpu.dma_semaphore, #tpu.memory_space<semaphore_mem>>)
    %add3A_51 = arith.constant 40 : i32
    %add3A_52 = arith.addi %mul3A_2, %add3A_51 : i32
    %add3A_53 = arith.constant 320000 : i32
    %add3A_54 = arith.addi %add3A_53, %add3A_52 : i32
    %dma_wait3A_55 = tpu.memref_slice %arg3[%add3A_52] : memref<640000xi32, #tpu.memory_space<hbm>> -> memref<40xi32, #tpu.memory_space<hbm>>
    %dma_wait3A_56 = tpu.memref_slice %arg3[%add3A_52] : memref<640000xi32, #tpu.memory_space<hbm>> -> memref<40xi32, #tpu.memory_space<hbm>>
    tpu.wait_dma2 semaphore(%arg24 : memref<!tpu.dma_semaphore, #tpu.memory_space<semaphore_mem>>) src(%dma_wait3A_56 : memref<40xi32, #tpu.memory_space<hbm>>) dst(%arg8 : memref<40xi32, #tpu.memory_space<vmem>>)
    %dma_wait3A_57 = tpu.memref_slice %arg3[%add3A_54] : memref<640000xi32, #tpu.memory_space<hbm>> -> memref<40xi32, #tpu.memory_space<hbm>>
    %dma_wait3A_58 = tpu.memref_slice %arg3[%add3A_54] : memref<640000xi32, #tpu.memory_space<hbm>> -> memref<40xi32, #tpu.memory_space<hbm>>
    tpu.wait_dma2 semaphore(%arg25 : memref<!tpu.dma_semaphore, #tpu.memory_space<semaphore_mem>>) src(%dma_wait3A_58 : memref<40xi32, #tpu.memory_space<hbm>>) dst(%arg9 : memref<40xi32, #tpu.memory_space<vmem>>)
    %dma_start3A_59 = arith.constant 0 : i32
    %dma_start3A_60 = arith.constant 0 : i32
    %dma_start3A_61 = tpu.memref_slice %arg5[%dma_start3A_59, %dma_start3A_60] : memref<10000x128xf32, #tpu.memory_space<vmem_shared>> -> memref<10000x128xf32, #tpu.memory_space<vmem_shared>>
    tpu.enqueue_indirect_dma source(%dma_start3A_61 : memref<10000x128xf32, #tpu.memory_space<vmem_shared>>) target(%arg16 : memref<40x128xf32, #tpu.memory_space<vmem>>) offsets(%arg8 : memref<40xi32, #tpu.memory_space<vmem>>) semaphore(%arg32 : memref<!tpu.dma_semaphore, #tpu.memory_space<semaphore_mem>>)
    %dma_start3A_62 = arith.constant 0 : i32
    %dma_start3A_63 = arith.constant 0 : i32
    %dma_start3A_64 = tpu.memref_slice %arg5[%dma_start3A_62, %dma_start3A_63] : memref<10000x128xf32, #tpu.memory_space<vmem_shared>> -> memref<10000x128xf32, #tpu.memory_space<vmem_shared>>
    tpu.enqueue_indirect_dma source(%dma_start3A_64 : memref<10000x128xf32, #tpu.memory_space<vmem_shared>>) target(%arg17 : memref<40x128xf32, #tpu.memory_space<vmem>>) offsets(%arg9 : memref<40xi32, #tpu.memory_space<vmem>>) semaphore(%arg33 : memref<!tpu.dma_semaphore, #tpu.memory_space<semaphore_mem>>)
    %scan3A = arith.constant 0 : i32
    %scan3A_65 = arith.constant 0 : i32
    %scan3A_66 = arith.constant 63 : i32
    %scan3A_67 = arith.addi %scan3A_65, %scan3A_66 : i32
    %scan3A_68 = arith.constant 1 : i32
    scf.for %scan3A_110 = %scan3A_65 to %scan3A_67 step %scan3A_68  : i32 {
      %mul3A_111 = arith.constant 4 : i32
      %mul3A_112 = arith.muli %scan3A_110, %mul3A_111 : i32
      %add3A_113 = arith.constant 0 : i32
      %add3A_114 = arith.addi %mul3A_112, %add3A_113 : i32
      %lt3A = arith.constant 250 : i32
      %lt3A_115 = arith.cmpi slt, %add3A_114, %lt3A : i32
      %convert_element_type3A = arith.extui %lt3A_115 : i1 to i32
      %cond3A = arith.constant 0 : i32
      %cond3A_116 = arith.cmpi ne, %convert_element_type3A, %cond3A : i32
      scf.if %cond3A_116 {
        %dma_wait3A_138 = arith.constant 0 : i32
        %dma_wait3A_139 = arith.constant 0 : i32
        %dma_wait3A_140 = tpu.memref_slice %arg5[%dma_wait3A_138, %dma_wait3A_139] : memref<10000x128xf32, #tpu.memory_space<vmem_shared>> -> memref<10000x128xf32, #tpu.memory_space<vmem_shared>>
        tpu.wait_indirect_dma semaphore(%arg30 : memref<!tpu.dma_semaphore, #tpu.memory_space<semaphore_mem>>) src(%dma_wait3A_140 : memref<10000x128xf32, #tpu.memory_space<vmem_shared>>) dst(%arg14 : memref<40x128xf32, #tpu.memory_space<vmem>>)
        %dma_wait3A_141 = arith.constant 0 : i32
        %dma_wait3A_142 = arith.constant 0 : i32
        %dma_wait3A_143 = tpu.memref_slice %arg5[%dma_wait3A_141, %dma_wait3A_142] : memref<10000x128xf32, #tpu.memory_space<vmem_shared>> -> memref<10000x128xf32, #tpu.memory_space<vmem_shared>>
        tpu.wait_indirect_dma semaphore(%arg31 : memref<!tpu.dma_semaphore, #tpu.memory_space<semaphore_mem>>) src(%dma_wait3A_143 : memref<10000x128xf32, #tpu.memory_space<vmem_shared>>) dst(%arg15 : memref<40x128xf32, #tpu.memory_space<vmem>>)
        %mul3A_144 = arith.constant 40 : i32
        %mul3A_145 = arith.muli %add3A_114, %mul3A_144 : i32
        %add3A_146 = arith.addi %mul3A_2, %mul3A_145 : i32
        %dma_start3A_147 = arith.constant 0 : i32
        %dma_start3A_148 = tpu.memref_slice %arg4[%add3A_146, %dma_start3A_147] : memref<320000x256xf32, #tpu.memory_space<hbm>> -> memref<40x128xf32, #tpu.memory_space<hbm>>
        %dma_start3A_149 = arith.constant 0 : i32
        %dma_start3A_150 = tpu.memref_slice %arg4[%add3A_146, %dma_start3A_149] : memref<320000x256xf32, #tpu.memory_space<hbm>> -> memref<40x128xf32, #tpu.memory_space<hbm>>
        tpu.enqueue_dma source(%arg14 : memref<40x128xf32, #tpu.memory_space<vmem>>) target(%dma_start3A_150 : memref<40x128xf32, #tpu.memory_space<hbm>>) target_semaphore(%arg38 : memref<!tpu.dma_semaphore, #tpu.memory_space<semaphore_mem>>)
        %dma_start3A_151 = arith.constant 128 : i32
        %dma_start3A_152 = tpu.memref_slice %arg4[%add3A_146, %dma_start3A_151] : memref<320000x256xf32, #tpu.memory_space<hbm>> -> memref<40x128xf32, #tpu.memory_space<hbm>>
        %dma_start3A_153 = arith.constant 128 : i32
        %dma_start3A_154 = tpu.memref_slice %arg4[%add3A_146, %dma_start3A_153] : memref<320000x256xf32, #tpu.memory_space<hbm>> -> memref<40x128xf32, #tpu.memory_space<hbm>>
        tpu.enqueue_dma source(%arg15 : memref<40x128xf32, #tpu.memory_space<vmem>>) target(%dma_start3A_154 : memref<40x128xf32, #tpu.memory_space<hbm>>) target_semaphore(%arg39 : memref<!tpu.dma_semaphore, #tpu.memory_space<semaphore_mem>>)
        %add3A_155 = arith.constant 4 : i32
        %add3A_156 = arith.addi %add3A_114, %add3A_155 : i32
        %lt3A_157 = arith.constant 250 : i32
        %lt3A_158 = arith.cmpi slt, %add3A_156, %lt3A_157 : i32
        %convert_element_type3A_159 = arith.extui %lt3A_158 : i1 to i32
        %cond3A_160 = arith.constant 0 : i32
        %cond3A_161 = arith.cmpi ne, %convert_element_type3A_159, %cond3A_160 : i32
        scf.if %cond3A_161 {
          %add3A_169 = arith.constant 4 : i32
          %add3A_170 = arith.addi %add3A_114, %add3A_169 : i32
          %mul3A_171 = arith.constant 40 : i32
          %mul3A_172 = arith.muli %add3A_170, %mul3A_171 : i32
          %add3A_173 = arith.addi %mul3A_2, %mul3A_172 : i32
          %add3A_174 = arith.constant 320000 : i32
          %add3A_175 = arith.addi %add3A_174, %add3A_173 : i32
          %dma_start3A_176 = tpu.memref_slice %arg3[%add3A_173] : memref<640000xi32, #tpu.memory_space<hbm>> -> memref<40xi32, #tpu.memory_space<hbm>>
          %dma_start3A_177 = tpu.memref_slice %arg3[%add3A_173] : memref<640000xi32, #tpu.memory_space<hbm>> -> memref<40xi32, #tpu.memory_space<hbm>>
          tpu.enqueue_dma source(%dma_start3A_177 : memref<40xi32, #tpu.memory_space<hbm>>) target(%arg6 : memref<40xi32, #tpu.memory_space<vmem>>) target_semaphore(%arg22 : memref<!tpu.dma_semaphore, #tpu.memory_space<semaphore_mem>>)
          %dma_start3A_178 = tpu.memref_slice %arg3[%add3A_175] : memref<640000xi32, #tpu.memory_space<hbm>> -> memref<40xi32, #tpu.memory_space<hbm>>
          %dma_start3A_179 = tpu.memref_slice %arg3[%add3A_175] : memref<640000xi32, #tpu.memory_space<hbm>> -> memref<40xi32, #tpu.memory_space<hbm>>
          tpu.enqueue_dma source(%dma_start3A_179 : memref<40xi32, #tpu.memory_space<hbm>>) target(%arg7 : memref<40xi32, #tpu.memory_space<vmem>>) target_semaphore(%arg23 : memref<!tpu.dma_semaphore, #tpu.memory_space<semaphore_mem>>)
        } else {
        }
        %add3A_162 = arith.constant 2 : i32
        %add3A_163 = arith.addi %add3A_114, %add3A_162 : i32
        %lt3A_164 = arith.constant 250 : i32
        %lt3A_165 = arith.cmpi slt, %add3A_163, %lt3A_164 : i32
        %convert_element_type3A_166 = arith.extui %lt3A_165 : i1 to i32
        %cond3A_167 = arith.constant 0 : i32
        %cond3A_168 = arith.cmpi ne, %convert_element_type3A_166, %cond3A_167 : i32
        scf.if %cond3A_168 {
          %add3A_169 = arith.constant 2 : i32
          %add3A_170 = arith.addi %add3A_114, %add3A_169 : i32
          %mul3A_171 = arith.constant 40 : i32
          %mul3A_172 = arith.muli %add3A_170, %mul3A_171 : i32
          %add3A_173 = arith.addi %mul3A_2, %mul3A_172 : i32
          %add3A_174 = arith.constant 320000 : i32
          %add3A_175 = arith.addi %add3A_174, %add3A_173 : i32
          %dma_wait3A_176 = tpu.memref_slice %arg3[%add3A_173] : memref<640000xi32, #tpu.memory_space<hbm>> -> memref<40xi32, #tpu.memory_space<hbm>>
          %dma_wait3A_177 = tpu.memref_slice %arg3[%add3A_173] : memref<640000xi32, #tpu.memory_space<hbm>> -> memref<40xi32, #tpu.memory_space<hbm>>
          tpu.wait_dma2 semaphore(%arg26 : memref<!tpu.dma_semaphore, #tpu.memory_space<semaphore_mem>>) src(%dma_wait3A_177 : memref<40xi32, #tpu.memory_space<hbm>>) dst(%arg10 : memref<40xi32, #tpu.memory_space<vmem>>)
          %dma_wait3A_178 = tpu.memref_slice %arg3[%add3A_175] : memref<640000xi32, #tpu.memory_space<hbm>> -> memref<40xi32, #tpu.memory_space<hbm>>
          %dma_wait3A_179 = tpu.memref_slice %arg3[%add3A_175] : memref<640000xi32, #tpu.memory_space<hbm>> -> memref<40xi32, #tpu.memory_space<hbm>>
          tpu.wait_dma2 semaphore(%arg27 : memref<!tpu.dma_semaphore, #tpu.memory_space<semaphore_mem>>) src(%dma_wait3A_179 : memref<40xi32, #tpu.memory_space<hbm>>) dst(%arg11 : memref<40xi32, #tpu.memory_space<vmem>>)
          %ge3A = arith.constant 2 : i32
          %ge3A_180 = arith.cmpi sge, %add3A_114, %ge3A : i32
          %convert_element_type3A_181 = arith.extui %ge3A_180 : i1 to i32
          %cond3A_182 = arith.constant 0 : i32
          %cond3A_183 = arith.cmpi ne, %convert_element_type3A_181, %cond3A_182 : i32
          scf.if %cond3A_183 {
            %sub3A = arith.constant 2 : i32
            %sub3A_190 = arith.subi %add3A_114, %sub3A : i32
            %mul3A_191 = arith.constant 40 : i32
            %mul3A_192 = arith.muli %sub3A_190, %mul3A_191 : i32
            %add3A_193 = arith.addi %mul3A_2, %mul3A_192 : i32
            %dma_wait3A_194 = arith.constant 0 : i32
            %dma_wait3A_195 = tpu.memref_slice %arg4[%add3A_193, %dma_wait3A_194] : memref<320000x256xf32, #tpu.memory_space<hbm>> -> memref<40x128xf32, #tpu.memory_space<hbm>>
            %dma_wait3A_196 = arith.constant 0 : i32
            %dma_wait3A_197 = tpu.memref_slice %arg4[%add3A_193, %dma_wait3A_196] : memref<320000x256xf32, #tpu.memory_space<hbm>> -> memref<40x128xf32, #tpu.memory_space<hbm>>
            tpu.wait_dma2 semaphore(%arg42 : memref<!tpu.dma_semaphore, #tpu.memory_space<semaphore_mem>>) src(%arg18 : memref<40x128xf32, #tpu.memory_space<vmem>>) dst(%dma_wait3A_197 : memref<40x128xf32, #tpu.memory_space<hbm>>)
            %dma_wait3A_198 = arith.constant 128 : i32
            %dma_wait3A_199 = tpu.memref_slice %arg4[%add3A_193, %dma_wait3A_198] : memref<320000x256xf32, #tpu.memory_space<hbm>> -> memref<40x128xf32, #tpu.memory_space<hbm>>
            %dma_wait3A_200 = arith.constant 128 : i32
            %dma_wait3A_201 = tpu.memref_slice %arg4[%add3A_193, %dma_wait3A_200] : memref<320000x256xf32, #tpu.memory_space<hbm>> -> memref<40x128xf32, #tpu.memory_space<hbm>>
            tpu.wait_dma2 semaphore(%arg43 : memref<!tpu.dma_semaphore, #tpu.memory_space<semaphore_mem>>) src(%arg19 : memref<40x128xf32, #tpu.memory_space<vmem>>) dst(%dma_wait3A_201 : memref<40x128xf32, #tpu.memory_space<hbm>>)
          } else {
          }
          %dma_start3A_184 = arith.constant 0 : i32
          %dma_start3A_185 = arith.constant 0 : i32
          %dma_start3A_186 = tpu.memref_slice %arg5[%dma_start3A_184, %dma_start3A_185] : memref<10000x128xf32, #tpu.memory_space<vmem_shared>> -> memref<10000x128xf32, #tpu.memory_space<vmem_shared>>
          tpu.enqueue_indirect_dma source(%dma_start3A_186 : memref<10000x128xf32, #tpu.memory_space<vmem_shared>>) target(%arg18 : memref<40x128xf32, #tpu.memory_space<vmem>>) offsets(%arg10 : memref<40xi32, #tpu.memory_space<vmem>>) semaphore(%arg34 : memref<!tpu.dma_semaphore, #tpu.memory_space<semaphore_mem>>)
          %dma_start3A_187 = arith.constant 0 : i32
          %dma_start3A_188 = arith.constant 0 : i32
          %dma_start3A_189 = tpu.memref_slice %arg5[%dma_start3A_187, %dma_start3A_188] : memref<10000x128xf32, #tpu.memory_space<vmem_shared>> -> memref<10000x128xf32, #tpu.memory_space<vmem_shared>>
          tpu.enqueue_indirect_dma source(%dma_start3A_189 : memref<10000x128xf32, #tpu.memory_space<vmem_shared>>) target(%arg19 : memref<40x128xf32, #tpu.memory_space<vmem>>) offsets(%arg11 : memref<40xi32, #tpu.memory_space<vmem>>) semaphore(%arg35 : memref<!tpu.dma_semaphore, #tpu.memory_space<semaphore_mem>>)
        } else {
        }
      } else {
      }
      %add3A_117 = arith.constant 1 : i32
      %add3A_118 = arith.addi %mul3A_112, %add3A_117 : i32
      %lt3A_119 = arith.constant 250 : i32
      %lt3A_120 = arith.cmpi slt, %add3A_118, %lt3A_119 : i32
      %convert_element_type3A_121 = arith.extui %lt3A_120 : i1 to i32
      %cond3A_122 = arith.constant 0 : i32
      %cond3A_123 = arith.cmpi ne, %convert_element_type3A_121, %cond3A_122 : i32
      scf.if %cond3A_123 {
        %dma_wait3A_138 = arith.constant 0 : i32
        %dma_wait3A_139 = arith.constant 0 : i32
        %dma_wait3A_140 = tpu.memref_slice %arg5[%dma_wait3A_138, %dma_wait3A_139] : memref<10000x128xf32, #tpu.memory_space<vmem_shared>> -> memref<10000x128xf32, #tpu.memory_space<vmem_shared>>
        tpu.wait_indirect_dma semaphore(%arg32 : memref<!tpu.dma_semaphore, #tpu.memory_space<semaphore_mem>>) src(%dma_wait3A_140 : memref<10000x128xf32, #tpu.memory_space<vmem_shared>>) dst(%arg16 : memref<40x128xf32, #tpu.memory_space<vmem>>)
        %dma_wait3A_141 = arith.constant 0 : i32
        %dma_wait3A_142 = arith.constant 0 : i32
        %dma_wait3A_143 = tpu.memref_slice %arg5[%dma_wait3A_141, %dma_wait3A_142] : memref<10000x128xf32, #tpu.memory_space<vmem_shared>> -> memref<10000x128xf32, #tpu.memory_space<vmem_shared>>
        tpu.wait_indirect_dma semaphore(%arg33 : memref<!tpu.dma_semaphore, #tpu.memory_space<semaphore_mem>>) src(%dma_wait3A_143 : memref<10000x128xf32, #tpu.memory_space<vmem_shared>>) dst(%arg17 : memref<40x128xf32, #tpu.memory_space<vmem>>)
        %mul3A_144 = arith.constant 40 : i32
        %mul3A_145 = arith.muli %add3A_118, %mul3A_144 : i32
        %add3A_146 = arith.addi %mul3A_2, %mul3A_145 : i32
        %dma_start3A_147 = arith.constant 0 : i32
        %dma_start3A_148 = tpu.memref_slice %arg4[%add3A_146, %dma_start3A_147] : memref<320000x256xf32, #tpu.memory_space<hbm>> -> memref<40x128xf32, #tpu.memory_space<hbm>>
        %dma_start3A_149 = arith.constant 0 : i32
        %dma_start3A_150 = tpu.memref_slice %arg4[%add3A_146, %dma_start3A_149] : memref<320000x256xf32, #tpu.memory_space<hbm>> -> memref<40x128xf32, #tpu.memory_space<hbm>>
        tpu.enqueue_dma source(%arg16 : memref<40x128xf32, #tpu.memory_space<vmem>>) target(%dma_start3A_150 : memref<40x128xf32, #tpu.memory_space<hbm>>) target_semaphore(%arg40 : memref<!tpu.dma_semaphore, #tpu.memory_space<semaphore_mem>>)
        %dma_start3A_151 = arith.constant 128 : i32
        %dma_start3A_152 = tpu.memref_slice %arg4[%add3A_146, %dma_start3A_151] : memref<320000x256xf32, #tpu.memory_space<hbm>> -> memref<40x128xf32, #tpu.memory_space<hbm>>
        %dma_start3A_153 = arith.constant 128 : i32
        %dma_start3A_154 = tpu.memref_slice %arg4[%add3A_146, %dma_start3A_153] : memref<320000x256xf32, #tpu.memory_space<hbm>> -> memref<40x128xf32, #tpu.memory_space<hbm>>
        tpu.enqueue_dma source(%arg17 : memref<40x128xf32, #tpu.memory_space<vmem>>) target(%dma_start3A_154 : memref<40x128xf32, #tpu.memory_space<hbm>>) target_semaphore(%arg41 : memref<!tpu.dma_semaphore, #tpu.memory_space<semaphore_mem>>)
        %add3A_155 = arith.constant 4 : i32
        %add3A_156 = arith.addi %add3A_118, %add3A_155 : i32
        %lt3A_157 = arith.constant 250 : i32
        %lt3A_158 = arith.cmpi slt, %add3A_156, %lt3A_157 : i32
        %convert_element_type3A_159 = arith.extui %lt3A_158 : i1 to i32
        %cond3A_160 = arith.constant 0 : i32
        %cond3A_161 = arith.cmpi ne, %convert_element_type3A_159, %cond3A_160 : i32
        scf.if %cond3A_161 {
          %add3A_169 = arith.constant 4 : i32
          %add3A_170 = arith.addi %add3A_118, %add3A_169 : i32
          %mul3A_171 = arith.constant 40 : i32
          %mul3A_172 = arith.muli %add3A_170, %mul3A_171 : i32
          %add3A_173 = arith.addi %mul3A_2, %mul3A_172 : i32
          %add3A_174 = arith.constant 320000 : i32
          %add3A_175 = arith.addi %add3A_174, %add3A_173 : i32
          %dma_start3A_176 = tpu.memref_slice %arg3[%add3A_173] : memref<640000xi32, #tpu.memory_space<hbm>> -> memref<40xi32, #tpu.memory_space<hbm>>
          %dma_start3A_177 = tpu.memref_slice %arg3[%add3A_173] : memref<640000xi32, #tpu.memory_space<hbm>> -> memref<40xi32, #tpu.memory_space<hbm>>
          tpu.enqueue_dma source(%dma_start3A_177 : memref<40xi32, #tpu.memory_space<hbm>>) target(%arg8 : memref<40xi32, #tpu.memory_space<vmem>>) target_semaphore(%arg24 : memref<!tpu.dma_semaphore, #tpu.memory_space<semaphore_mem>>)
          %dma_start3A_178 = tpu.memref_slice %arg3[%add3A_175] : memref<640000xi32, #tpu.memory_space<hbm>> -> memref<40xi32, #tpu.memory_space<hbm>>
          %dma_start3A_179 = tpu.memref_slice %arg3[%add3A_175] : memref<640000xi32, #tpu.memory_space<hbm>> -> memref<40xi32, #tpu.memory_space<hbm>>
          tpu.enqueue_dma source(%dma_start3A_179 : memref<40xi32, #tpu.memory_space<hbm>>) target(%arg9 : memref<40xi32, #tpu.memory_space<vmem>>) target_semaphore(%arg25 : memref<!tpu.dma_semaphore, #tpu.memory_space<semaphore_mem>>)
        } else {
        }
        %add3A_162 = arith.constant 2 : i32
        %add3A_163 = arith.addi %add3A_118, %add3A_162 : i32
        %lt3A_164 = arith.constant 250 : i32
        %lt3A_165 = arith.cmpi slt, %add3A_163, %lt3A_164 : i32
        %convert_element_type3A_166 = arith.extui %lt3A_165 : i1 to i32
        %cond3A_167 = arith.constant 0 : i32
        %cond3A_168 = arith.cmpi ne, %convert_element_type3A_166, %cond3A_167 : i32
        scf.if %cond3A_168 {
          %add3A_169 = arith.constant 2 : i32
          %add3A_170 = arith.addi %add3A_118, %add3A_169 : i32
          %mul3A_171 = arith.constant 40 : i32
          %mul3A_172 = arith.muli %add3A_170, %mul3A_171 : i32
          %add3A_173 = arith.addi %mul3A_2, %mul3A_172 : i32
          %add3A_174 = arith.constant 320000 : i32
          %add3A_175 = arith.addi %add3A_174, %add3A_173 : i32
          %dma_wait3A_176 = tpu.memref_slice %arg3[%add3A_173] : memref<640000xi32, #tpu.memory_space<hbm>> -> memref<40xi32, #tpu.memory_space<hbm>>
          %dma_wait3A_177 = tpu.memref_slice %arg3[%add3A_173] : memref<640000xi32, #tpu.memory_space<hbm>> -> memref<40xi32, #tpu.memory_space<hbm>>
          tpu.wait_dma2 semaphore(%arg28 : memref<!tpu.dma_semaphore, #tpu.memory_space<semaphore_mem>>) src(%dma_wait3A_177 : memref<40xi32, #tpu.memory_space<hbm>>) dst(%arg12 : memref<40xi32, #tpu.memory_space<vmem>>)
          %dma_wait3A_178 = tpu.memref_slice %arg3[%add3A_175] : memref<640000xi32, #tpu.memory_space<hbm>> -> memref<40xi32, #tpu.memory_space<hbm>>
          %dma_wait3A_179 = tpu.memref_slice %arg3[%add3A_175] : memref<640000xi32, #tpu.memory_space<hbm>> -> memref<40xi32, #tpu.memory_space<hbm>>
          tpu.wait_dma2 semaphore(%arg29 : memref<!tpu.dma_semaphore, #tpu.memory_space<semaphore_mem>>) src(%dma_wait3A_179 : memref<40xi32, #tpu.memory_space<hbm>>) dst(%arg13 : memref<40xi32, #tpu.memory_space<vmem>>)
          %ge3A = arith.constant 2 : i32
          %ge3A_180 = arith.cmpi sge, %add3A_118, %ge3A : i32
          %convert_element_type3A_181 = arith.extui %ge3A_180 : i1 to i32
          %cond3A_182 = arith.constant 0 : i32
          %cond3A_183 = arith.cmpi ne, %convert_element_type3A_181, %cond3A_182 : i32
          scf.if %cond3A_183 {
            %sub3A = arith.constant 2 : i32
            %sub3A_190 = arith.subi %add3A_118, %sub3A : i32
            %mul3A_191 = arith.constant 40 : i32
            %mul3A_192 = arith.muli %sub3A_190, %mul3A_191 : i32
            %add3A_193 = arith.addi %mul3A_2, %mul3A_192 : i32
            %dma_wait3A_194 = arith.constant 0 : i32
            %dma_wait3A_195 = tpu.memref_slice %arg4[%add3A_193, %dma_wait3A_194] : memref<320000x256xf32, #tpu.memory_space<hbm>> -> memref<40x128xf32, #tpu.memory_space<hbm>>
            %dma_wait3A_196 = arith.constant 0 : i32
            %dma_wait3A_197 = tpu.memref_slice %arg4[%add3A_193, %dma_wait3A_196] : memref<320000x256xf32, #tpu.memory_space<hbm>> -> memref<40x128xf32, #tpu.memory_space<hbm>>
            tpu.wait_dma2 semaphore(%arg44 : memref<!tpu.dma_semaphore, #tpu.memory_space<semaphore_mem>>) src(%arg20 : memref<40x128xf32, #tpu.memory_space<vmem>>) dst(%dma_wait3A_197 : memref<40x128xf32, #tpu.memory_space<hbm>>)
            %dma_wait3A_198 = arith.constant 128 : i32
            %dma_wait3A_199 = tpu.memref_slice %arg4[%add3A_193, %dma_wait3A_198] : memref<320000x256xf32, #tpu.memory_space<hbm>> -> memref<40x128xf32, #tpu.memory_space<hbm>>
            %dma_wait3A_200 = arith.constant 128 : i32
            %dma_wait3A_201 = tpu.memref_slice %arg4[%add3A_193, %dma_wait3A_200] : memref<320000x256xf32, #tpu.memory_space<hbm>> -> memref<40x128xf32, #tpu.memory_space<hbm>>
            tpu.wait_dma2 semaphore(%arg45 : memref<!tpu.dma_semaphore, #tpu.memory_space<semaphore_mem>>) src(%arg21 : memref<40x128xf32, #tpu.memory_space<vmem>>) dst(%dma_wait3A_201 : memref<40x128xf32, #tpu.memory_space<hbm>>)
          } else {
          }
          %dma_start3A_184 = arith.constant 0 : i32
          %dma_start3A_185 = arith.constant 0 : i32
          %dma_start3A_186 = tpu.memref_slice %arg5[%dma_start3A_184, %dma_start3A_185] : memref<10000x128xf32, #tpu.memory_space<vmem_shared>> -> memref<10000x128xf32, #tpu.memory_space<vmem_shared>>
          tpu.enqueue_indirect_dma source(%dma_start3A_186 : memref<10000x128xf32, #tpu.memory_space<vmem_shared>>) target(%arg20 : memref<40x128xf32, #tpu.memory_space<vmem>>) offsets(%arg12 : memref<40xi32, #tpu.memory_space<vmem>>) semaphore(%arg36 : memref<!tpu.dma_semaphore, #tpu.memory_space<semaphore_mem>>)
          %dma_start3A_187 = arith.constant 0 : i32
          %dma_start3A_188 = arith.constant 0 : i32
          %dma_start3A_189 = tpu.memref_slice %arg5[%dma_start3A_187, %dma_start3A_188] : memref<10000x128xf32, #tpu.memory_space<vmem_shared>> -> memref<10000x128xf32, #tpu.memory_space<vmem_shared>>
          tpu.enqueue_indirect_dma source(%dma_start3A_189 : memref<10000x128xf32, #tpu.memory_space<vmem_shared>>) target(%arg21 : memref<40x128xf32, #tpu.memory_space<vmem>>) offsets(%arg13 : memref<40xi32, #tpu.memory_space<vmem>>) semaphore(%arg37 : memref<!tpu.dma_semaphore, #tpu.memory_space<semaphore_mem>>)
        } else {
        }
      } else {
      }
      %add3A_124 = arith.constant 2 : i32
      %add3A_125 = arith.addi %mul3A_112, %add3A_124 : i32
      %lt3A_126 = arith.constant 250 : i32
      %lt3A_127 = arith.cmpi slt, %add3A_125, %lt3A_126 : i32
      %convert_element_type3A_128 = arith.extui %lt3A_127 : i1 to i32
      %cond3A_129 = arith.constant 0 : i32
      %cond3A_130 = arith.cmpi ne, %convert_element_type3A_128, %cond3A_129 : i32
      scf.if %cond3A_130 {
        %dma_wait3A_138 = arith.constant 0 : i32
        %dma_wait3A_139 = arith.constant 0 : i32
        %dma_wait3A_140 = tpu.memref_slice %arg5[%dma_wait3A_138, %dma_wait3A_139] : memref<10000x128xf32, #tpu.memory_space<vmem_shared>> -> memref<10000x128xf32, #tpu.memory_space<vmem_shared>>
        tpu.wait_indirect_dma semaphore(%arg34 : memref<!tpu.dma_semaphore, #tpu.memory_space<semaphore_mem>>) src(%dma_wait3A_140 : memref<10000x128xf32, #tpu.memory_space<vmem_shared>>) dst(%arg18 : memref<40x128xf32, #tpu.memory_space<vmem>>)
        %dma_wait3A_141 = arith.constant 0 : i32
        %dma_wait3A_142 = arith.constant 0 : i32
        %dma_wait3A_143 = tpu.memref_slice %arg5[%dma_wait3A_141, %dma_wait3A_142] : memref<10000x128xf32, #tpu.memory_space<vmem_shared>> -> memref<10000x128xf32, #tpu.memory_space<vmem_shared>>
        tpu.wait_indirect_dma semaphore(%arg35 : memref<!tpu.dma_semaphore, #tpu.memory_space<semaphore_mem>>) src(%dma_wait3A_143 : memref<10000x128xf32, #tpu.memory_space<vmem_shared>>) dst(%arg19 : memref<40x128xf32, #tpu.memory_space<vmem>>)
        %mul3A_144 = arith.constant 40 : i32
        %mul3A_145 = arith.muli %add3A_125, %mul3A_144 : i32
        %add3A_146 = arith.addi %mul3A_2, %mul3A_145 : i32
        %dma_start3A_147 = arith.constant 0 : i32
        %dma_start3A_148 = tpu.memref_slice %arg4[%add3A_146, %dma_start3A_147] : memref<320000x256xf32, #tpu.memory_space<hbm>> -> memref<40x128xf32, #tpu.memory_space<hbm>>
        %dma_start3A_149 = arith.constant 0 : i32
        %dma_start3A_150 = tpu.memref_slice %arg4[%add3A_146, %dma_start3A_149] : memref<320000x256xf32, #tpu.memory_space<hbm>> -> memref<40x128xf32, #tpu.memory_space<hbm>>
        tpu.enqueue_dma source(%arg18 : memref<40x128xf32, #tpu.memory_space<vmem>>) target(%dma_start3A_150 : memref<40x128xf32, #tpu.memory_space<hbm>>) target_semaphore(%arg42 : memref<!tpu.dma_semaphore, #tpu.memory_space<semaphore_mem>>)
        %dma_start3A_151 = arith.constant 128 : i32
        %dma_start3A_152 = tpu.memref_slice %arg4[%add3A_146, %dma_start3A_151] : memref<320000x256xf32, #tpu.memory_space<hbm>> -> memref<40x128xf32, #tpu.memory_space<hbm>>
        %dma_start3A_153 = arith.constant 128 : i32
        %dma_start3A_154 = tpu.memref_slice %arg4[%add3A_146, %dma_start3A_153] : memref<320000x256xf32, #tpu.memory_space<hbm>> -> memref<40x128xf32, #tpu.memory_space<hbm>>
        tpu.enqueue_dma source(%arg19 : memref<40x128xf32, #tpu.memory_space<vmem>>) target(%dma_start3A_154 : memref<40x128xf32, #tpu.memory_space<hbm>>) target_semaphore(%arg43 : memref<!tpu.dma_semaphore, #tpu.memory_space<semaphore_mem>>)
        %add3A_155 = arith.constant 4 : i32
        %add3A_156 = arith.addi %add3A_125, %add3A_155 : i32
        %lt3A_157 = arith.constant 250 : i32
        %lt3A_158 = arith.cmpi slt, %add3A_156, %lt3A_157 : i32
        %convert_element_type3A_159 = arith.extui %lt3A_158 : i1 to i32
        %cond3A_160 = arith.constant 0 : i32
        %cond3A_161 = arith.cmpi ne, %convert_element_type3A_159, %cond3A_160 : i32
        scf.if %cond3A_161 {
          %add3A_169 = arith.constant 4 : i32
          %add3A_170 = arith.addi %add3A_125, %add3A_169 : i32
          %mul3A_171 = arith.constant 40 : i32
          %mul3A_172 = arith.muli %add3A_170, %mul3A_171 : i32
          %add3A_173 = arith.addi %mul3A_2, %mul3A_172 : i32
          %add3A_174 = arith.constant 320000 : i32
          %add3A_175 = arith.addi %add3A_174, %add3A_173 : i32
          %dma_start3A_176 = tpu.memref_slice %arg3[%add3A_173] : memref<640000xi32, #tpu.memory_space<hbm>> -> memref<40xi32, #tpu.memory_space<hbm>>
          %dma_start3A_177 = tpu.memref_slice %arg3[%add3A_173] : memref<640000xi32, #tpu.memory_space<hbm>> -> memref<40xi32, #tpu.memory_space<hbm>>
          tpu.enqueue_dma source(%dma_start3A_177 : memref<40xi32, #tpu.memory_space<hbm>>) target(%arg10 : memref<40xi32, #tpu.memory_space<vmem>>) target_semaphore(%arg26 : memref<!tpu.dma_semaphore, #tpu.memory_space<semaphore_mem>>)
          %dma_start3A_178 = tpu.memref_slice %arg3[%add3A_175] : memref<640000xi32, #tpu.memory_space<hbm>> -> memref<40xi32, #tpu.memory_space<hbm>>
          %dma_start3A_179 = tpu.memref_slice %arg3[%add3A_175] : memref<640000xi32, #tpu.memory_space<hbm>> -> memref<40xi32, #tpu.memory_space<hbm>>
          tpu.enqueue_dma source(%dma_start3A_179 : memref<40xi32, #tpu.memory_space<hbm>>) target(%arg11 : memref<40xi32, #tpu.memory_space<vmem>>) target_semaphore(%arg27 : memref<!tpu.dma_semaphore, #tpu.memory_space<semaphore_mem>>)
        } else {
        }
        %add3A_162 = arith.constant 2 : i32
        %add3A_163 = arith.addi %add3A_125, %add3A_162 : i32
        %lt3A_164 = arith.constant 250 : i32
        %lt3A_165 = arith.cmpi slt, %add3A_163, %lt3A_164 : i32
        %convert_element_type3A_166 = arith.extui %lt3A_165 : i1 to i32
        %cond3A_167 = arith.constant 0 : i32
        %cond3A_168 = arith.cmpi ne, %convert_element_type3A_166, %cond3A_167 : i32
        scf.if %cond3A_168 {
          %add3A_169 = arith.constant 2 : i32
          %add3A_170 = arith.addi %add3A_125, %add3A_169 : i32
          %mul3A_171 = arith.constant 40 : i32
          %mul3A_172 = arith.muli %add3A_170, %mul3A_171 : i32
          %add3A_173 = arith.addi %mul3A_2, %mul3A_172 : i32
          %add3A_174 = arith.constant 320000 : i32
          %add3A_175 = arith.addi %add3A_174, %add3A_173 : i32
          %dma_wait3A_176 = tpu.memref_slice %arg3[%add3A_173] : memref<640000xi32, #tpu.memory_space<hbm>> -> memref<40xi32, #tpu.memory_space<hbm>>
          %dma_wait3A_177 = tpu.memref_slice %arg3[%add3A_173] : memref<640000xi32, #tpu.memory_space<hbm>> -> memref<40xi32, #tpu.memory_space<hbm>>
          tpu.wait_dma2 semaphore(%arg22 : memref<!tpu.dma_semaphore, #tpu.memory_space<semaphore_mem>>) src(%dma_wait3A_177 : memref<40xi32, #tpu.memory_space<hbm>>) dst(%arg6 : memref<40xi32, #tpu.memory_space<vmem>>)
          %dma_wait3A_178 = tpu.memref_slice %arg3[%add3A_175] : memref<640000xi32, #tpu.memory_space<hbm>> -> memref<40xi32, #tpu.memory_space<hbm>>
          %dma_wait3A_179 = tpu.memref_slice %arg3[%add3A_175] : memref<640000xi32, #tpu.memory_space<hbm>> -> memref<40xi32, #tpu.memory_space<hbm>>
          tpu.wait_dma2 semaphore(%arg23 : memref<!tpu.dma_semaphore, #tpu.memory_space<semaphore_mem>>) src(%dma_wait3A_179 : memref<40xi32, #tpu.memory_space<hbm>>) dst(%arg7 : memref<40xi32, #tpu.memory_space<vmem>>)
          %ge3A = arith.constant 2 : i32
          %ge3A_180 = arith.cmpi sge, %add3A_125, %ge3A : i32
          %convert_element_type3A_181 = arith.extui %ge3A_180 : i1 to i32
          %cond3A_182 = arith.constant 0 : i32
          %cond3A_183 = arith.cmpi ne, %convert_element_type3A_181, %cond3A_182 : i32
          scf.if %cond3A_183 {
            %sub3A = arith.constant 2 : i32
            %sub3A_190 = arith.subi %add3A_125, %sub3A : i32
            %mul3A_191 = arith.constant 40 : i32
            %mul3A_192 = arith.muli %sub3A_190, %mul3A_191 : i32
            %add3A_193 = arith.addi %mul3A_2, %mul3A_192 : i32
            %dma_wait3A_194 = arith.constant 0 : i32
            %dma_wait3A_195 = tpu.memref_slice %arg4[%add3A_193, %dma_wait3A_194] : memref<320000x256xf32, #tpu.memory_space<hbm>> -> memref<40x128xf32, #tpu.memory_space<hbm>>
            %dma_wait3A_196 = arith.constant 0 : i32
            %dma_wait3A_197 = tpu.memref_slice %arg4[%add3A_193, %dma_wait3A_196] : memref<320000x256xf32, #tpu.memory_space<hbm>> -> memref<40x128xf32, #tpu.memory_space<hbm>>
            tpu.wait_dma2 semaphore(%arg38 : memref<!tpu.dma_semaphore, #tpu.memory_space<semaphore_mem>>) src(%arg14 : memref<40x128xf32, #tpu.memory_space<vmem>>) dst(%dma_wait3A_197 : memref<40x128xf32, #tpu.memory_space<hbm>>)
            %dma_wait3A_198 = arith.constant 128 : i32
            %dma_wait3A_199 = tpu.memref_slice %arg4[%add3A_193, %dma_wait3A_198] : memref<320000x256xf32, #tpu.memory_space<hbm>> -> memref<40x128xf32, #tpu.memory_space<hbm>>
            %dma_wait3A_200 = arith.constant 128 : i32
            %dma_wait3A_201 = tpu.memref_slice %arg4[%add3A_193, %dma_wait3A_200] : memref<320000x256xf32, #tpu.memory_space<hbm>> -> memref<40x128xf32, #tpu.memory_space<hbm>>
            tpu.wait_dma2 semaphore(%arg39 : memref<!tpu.dma_semaphore, #tpu.memory_space<semaphore_mem>>) src(%arg15 : memref<40x128xf32, #tpu.memory_space<vmem>>) dst(%dma_wait3A_201 : memref<40x128xf32, #tpu.memory_space<hbm>>)
          } else {
          }
          %dma_start3A_184 = arith.constant 0 : i32
          %dma_start3A_185 = arith.constant 0 : i32
          %dma_start3A_186 = tpu.memref_slice %arg5[%dma_start3A_184, %dma_start3A_185] : memref<10000x128xf32, #tpu.memory_space<vmem_shared>> -> memref<10000x128xf32, #tpu.memory_space<vmem_shared>>
          tpu.enqueue_indirect_dma source(%dma_start3A_186 : memref<10000x128xf32, #tpu.memory_space<vmem_shared>>) target(%arg14 : memref<40x128xf32, #tpu.memory_space<vmem>>) offsets(%arg6 : memref<40xi32, #tpu.memory_space<vmem>>) semaphore(%arg30 : memref<!tpu.dma_semaphore, #tpu.memory_space<semaphore_mem>>)
          %dma_start3A_187 = arith.constant 0 : i32
          %dma_start3A_188 = arith.constant 0 : i32
          %dma_start3A_189 = tpu.memref_slice %arg5[%dma_start3A_187, %dma_start3A_188] : memref<10000x128xf32, #tpu.memory_space<vmem_shared>> -> memref<10000x128xf32, #tpu.memory_space<vmem_shared>>
          tpu.enqueue_indirect_dma source(%dma_start3A_189 : memref<10000x128xf32, #tpu.memory_space<vmem_shared>>) target(%arg15 : memref<40x128xf32, #tpu.memory_space<vmem>>) offsets(%arg7 : memref<40xi32, #tpu.memory_space<vmem>>) semaphore(%arg31 : memref<!tpu.dma_semaphore, #tpu.memory_space<semaphore_mem>>)
        } else {
        }
      } else {
      }
      %add3A_131 = arith.constant 3 : i32
      %add3A_132 = arith.addi %mul3A_112, %add3A_131 : i32
      %lt3A_133 = arith.constant 250 : i32
      %lt3A_134 = arith.cmpi slt, %add3A_132, %lt3A_133 : i32
      %convert_element_type3A_135 = arith.extui %lt3A_134 : i1 to i32
      %cond3A_136 = arith.constant 0 : i32
      %cond3A_137 = arith.cmpi ne, %convert_element_type3A_135, %cond3A_136 : i32
      scf.if %cond3A_137 {
        %dma_wait3A_138 = arith.constant 0 : i32
        %dma_wait3A_139 = arith.constant 0 : i32
        %dma_wait3A_140 = tpu.memref_slice %arg5[%dma_wait3A_138, %dma_wait3A_139] : memref<10000x128xf32, #tpu.memory_space<vmem_shared>> -> memref<10000x128xf32, #tpu.memory_space<vmem_shared>>
        tpu.wait_indirect_dma semaphore(%arg36 : memref<!tpu.dma_semaphore, #tpu.memory_space<semaphore_mem>>) src(%dma_wait3A_140 : memref<10000x128xf32, #tpu.memory_space<vmem_shared>>) dst(%arg20 : memref<40x128xf32, #tpu.memory_space<vmem>>)
        %dma_wait3A_141 = arith.constant 0 : i32
        %dma_wait3A_142 = arith.constant 0 : i32
        %dma_wait3A_143 = tpu.memref_slice %arg5[%dma_wait3A_141, %dma_wait3A_142] : memref<10000x128xf32, #tpu.memory_space<vmem_shared>> -> memref<10000x128xf32, #tpu.memory_space<vmem_shared>>
        tpu.wait_indirect_dma semaphore(%arg37 : memref<!tpu.dma_semaphore, #tpu.memory_space<semaphore_mem>>) src(%dma_wait3A_143 : memref<10000x128xf32, #tpu.memory_space<vmem_shared>>) dst(%arg21 : memref<40x128xf32, #tpu.memory_space<vmem>>)
        %mul3A_144 = arith.constant 40 : i32
        %mul3A_145 = arith.muli %add3A_132, %mul3A_144 : i32
        %add3A_146 = arith.addi %mul3A_2, %mul3A_145 : i32
        %dma_start3A_147 = arith.constant 0 : i32
        %dma_start3A_148 = tpu.memref_slice %arg4[%add3A_146, %dma_start3A_147] : memref<320000x256xf32, #tpu.memory_space<hbm>> -> memref<40x128xf32, #tpu.memory_space<hbm>>
        %dma_start3A_149 = arith.constant 0 : i32
        %dma_start3A_150 = tpu.memref_slice %arg4[%add3A_146, %dma_start3A_149] : memref<320000x256xf32, #tpu.memory_space<hbm>> -> memref<40x128xf32, #tpu.memory_space<hbm>>
        tpu.enqueue_dma source(%arg20 : memref<40x128xf32, #tpu.memory_space<vmem>>) target(%dma_start3A_150 : memref<40x128xf32, #tpu.memory_space<hbm>>) target_semaphore(%arg44 : memref<!tpu.dma_semaphore, #tpu.memory_space<semaphore_mem>>)
        %dma_start3A_151 = arith.constant 128 : i32
        %dma_start3A_152 = tpu.memref_slice %arg4[%add3A_146, %dma_start3A_151] : memref<320000x256xf32, #tpu.memory_space<hbm>> -> memref<40x128xf32, #tpu.memory_space<hbm>>
        %dma_start3A_153 = arith.constant 128 : i32
        %dma_start3A_154 = tpu.memref_slice %arg4[%add3A_146, %dma_start3A_153] : memref<320000x256xf32, #tpu.memory_space<hbm>> -> memref<40x128xf32, #tpu.memory_space<hbm>>
        tpu.enqueue_dma source(%arg21 : memref<40x128xf32, #tpu.memory_space<vmem>>) target(%dma_start3A_154 : memref<40x128xf32, #tpu.memory_space<hbm>>) target_semaphore(%arg45 : memref<!tpu.dma_semaphore, #tpu.memory_space<semaphore_mem>>)
        %add3A_155 = arith.constant 4 : i32
        %add3A_156 = arith.addi %add3A_132, %add3A_155 : i32
        %lt3A_157 = arith.constant 250 : i32
        %lt3A_158 = arith.cmpi slt, %add3A_156, %lt3A_157 : i32
        %convert_element_type3A_159 = arith.extui %lt3A_158 : i1 to i32
        %cond3A_160 = arith.constant 0 : i32
        %cond3A_161 = arith.cmpi ne, %convert_element_type3A_159, %cond3A_160 : i32
        scf.if %cond3A_161 {
          %add3A_169 = arith.constant 4 : i32
          %add3A_170 = arith.addi %add3A_132, %add3A_169 : i32
          %mul3A_171 = arith.constant 40 : i32
          %mul3A_172 = arith.muli %add3A_170, %mul3A_171 : i32
          %add3A_173 = arith.addi %mul3A_2, %mul3A_172 : i32
          %add3A_174 = arith.constant 320000 : i32
          %add3A_175 = arith.addi %add3A_174, %add3A_173 : i32
          %dma_start3A_176 = tpu.memref_slice %arg3[%add3A_173] : memref<640000xi32, #tpu.memory_space<hbm>> -> memref<40xi32, #tpu.memory_space<hbm>>
          %dma_start3A_177 = tpu.memref_slice %arg3[%add3A_173] : memref<640000xi32, #tpu.memory_space<hbm>> -> memref<40xi32, #tpu.memory_space<hbm>>
          tpu.enqueue_dma source(%dma_start3A_177 : memref<40xi32, #tpu.memory_space<hbm>>) target(%arg12 : memref<40xi32, #tpu.memory_space<vmem>>) target_semaphore(%arg28 : memref<!tpu.dma_semaphore, #tpu.memory_space<semaphore_mem>>)
          %dma_start3A_178 = tpu.memref_slice %arg3[%add3A_175] : memref<640000xi32, #tpu.memory_space<hbm>> -> memref<40xi32, #tpu.memory_space<hbm>>
          %dma_start3A_179 = tpu.memref_slice %arg3[%add3A_175] : memref<640000xi32, #tpu.memory_space<hbm>> -> memref<40xi32, #tpu.memory_space<hbm>>
          tpu.enqueue_dma source(%dma_start3A_179 : memref<40xi32, #tpu.memory_space<hbm>>) target(%arg13 : memref<40xi32, #tpu.memory_space<vmem>>) target_semaphore(%arg29 : memref<!tpu.dma_semaphore, #tpu.memory_space<semaphore_mem>>)
        } else {
        }
        %add3A_162 = arith.constant 2 : i32
        %add3A_163 = arith.addi %add3A_132, %add3A_162 : i32
        %lt3A_164 = arith.constant 250 : i32
        %lt3A_165 = arith.cmpi slt, %add3A_163, %lt3A_164 : i32
        %convert_element_type3A_166 = arith.extui %lt3A_165 : i1 to i32
        %cond3A_167 = arith.constant 0 : i32
        %cond3A_168 = arith.cmpi ne, %convert_element_type3A_166, %cond3A_167 : i32
        scf.if %cond3A_168 {
          %add3A_169 = arith.constant 2 : i32
          %add3A_170 = arith.addi %add3A_132, %add3A_169 : i32
          %mul3A_171 = arith.constant 40 : i32
          %mul3A_172 = arith.muli %add3A_170, %mul3A_171 : i32
          %add3A_173 = arith.addi %mul3A_2, %mul3A_172 : i32
          %add3A_174 = arith.constant 320000 : i32
          %add3A_175 = arith.addi %add3A_174, %add3A_173 : i32
          %dma_wait3A_176 = tpu.memref_slice %arg3[%add3A_173] : memref<640000xi32, #tpu.memory_space<hbm>> -> memref<40xi32, #tpu.memory_space<hbm>>
          %dma_wait3A_177 = tpu.memref_slice %arg3[%add3A_173] : memref<640000xi32, #tpu.memory_space<hbm>> -> memref<40xi32, #tpu.memory_space<hbm>>
          tpu.wait_dma2 semaphore(%arg24 : memref<!tpu.dma_semaphore, #tpu.memory_space<semaphore_mem>>) src(%dma_wait3A_177 : memref<40xi32, #tpu.memory_space<hbm>>) dst(%arg8 : memref<40xi32, #tpu.memory_space<vmem>>)
          %dma_wait3A_178 = tpu.memref_slice %arg3[%add3A_175] : memref<640000xi32, #tpu.memory_space<hbm>> -> memref<40xi32, #tpu.memory_space<hbm>>
          %dma_wait3A_179 = tpu.memref_slice %arg3[%add3A_175] : memref<640000xi32, #tpu.memory_space<hbm>> -> memref<40xi32, #tpu.memory_space<hbm>>
          tpu.wait_dma2 semaphore(%arg25 : memref<!tpu.dma_semaphore, #tpu.memory_space<semaphore_mem>>) src(%dma_wait3A_179 : memref<40xi32, #tpu.memory_space<hbm>>) dst(%arg9 : memref<40xi32, #tpu.memory_space<vmem>>)
          %ge3A = arith.constant 2 : i32
          %ge3A_180 = arith.cmpi sge, %add3A_132, %ge3A : i32
          %convert_element_type3A_181 = arith.extui %ge3A_180 : i1 to i32
          %cond3A_182 = arith.constant 0 : i32
          %cond3A_183 = arith.cmpi ne, %convert_element_type3A_181, %cond3A_182 : i32
          scf.if %cond3A_183 {
            %sub3A = arith.constant 2 : i32
            %sub3A_190 = arith.subi %add3A_132, %sub3A : i32
            %mul3A_191 = arith.constant 40 : i32
            %mul3A_192 = arith.muli %sub3A_190, %mul3A_191 : i32
            %add3A_193 = arith.addi %mul3A_2, %mul3A_192 : i32
            %dma_wait3A_194 = arith.constant 0 : i32
            %dma_wait3A_195 = tpu.memref_slice %arg4[%add3A_193, %dma_wait3A_194] : memref<320000x256xf32, #tpu.memory_space<hbm>> -> memref<40x128xf32, #tpu.memory_space<hbm>>
            %dma_wait3A_196 = arith.constant 0 : i32
            %dma_wait3A_197 = tpu.memref_slice %arg4[%add3A_193, %dma_wait3A_196] : memref<320000x256xf32, #tpu.memory_space<hbm>> -> memref<40x128xf32, #tpu.memory_space<hbm>>
            tpu.wait_dma2 semaphore(%arg40 : memref<!tpu.dma_semaphore, #tpu.memory_space<semaphore_mem>>) src(%arg16 : memref<40x128xf32, #tpu.memory_space<vmem>>) dst(%dma_wait3A_197 : memref<40x128xf32, #tpu.memory_space<hbm>>)
            %dma_wait3A_198 = arith.constant 128 : i32
            %dma_wait3A_199 = tpu.memref_slice %arg4[%add3A_193, %dma_wait3A_198] : memref<320000x256xf32, #tpu.memory_space<hbm>> -> memref<40x128xf32, #tpu.memory_space<hbm>>
            %dma_wait3A_200 = arith.constant 128 : i32
            %dma_wait3A_201 = tpu.memref_slice %arg4[%add3A_193, %dma_wait3A_200] : memref<320000x256xf32, #tpu.memory_space<hbm>> -> memref<40x128xf32, #tpu.memory_space<hbm>>
            tpu.wait_dma2 semaphore(%arg41 : memref<!tpu.dma_semaphore, #tpu.memory_space<semaphore_mem>>) src(%arg17 : memref<40x128xf32, #tpu.memory_space<vmem>>) dst(%dma_wait3A_201 : memref<40x128xf32, #tpu.memory_space<hbm>>)
          } else {
          }
          %dma_start3A_184 = arith.constant 0 : i32
          %dma_start3A_185 = arith.constant 0 : i32
          %dma_start3A_186 = tpu.memref_slice %arg5[%dma_start3A_184, %dma_start3A_185] : memref<10000x128xf32, #tpu.memory_space<vmem_shared>> -> memref<10000x128xf32, #tpu.memory_space<vmem_shared>>
          tpu.enqueue_indirect_dma source(%dma_start3A_186 : memref<10000x128xf32, #tpu.memory_space<vmem_shared>>) target(%arg16 : memref<40x128xf32, #tpu.memory_space<vmem>>) offsets(%arg8 : memref<40xi32, #tpu.memory_space<vmem>>) semaphore(%arg32 : memref<!tpu.dma_semaphore, #tpu.memory_space<semaphore_mem>>)
          %dma_start3A_187 = arith.constant 0 : i32
          %dma_start3A_188 = arith.constant 0 : i32
          %dma_start3A_189 = tpu.memref_slice %arg5[%dma_start3A_187, %dma_start3A_188] : memref<10000x128xf32, #tpu.memory_space<vmem_shared>> -> memref<10000x128xf32, #tpu.memory_space<vmem_shared>>
          tpu.enqueue_indirect_dma source(%dma_start3A_189 : memref<10000x128xf32, #tpu.memory_space<vmem_shared>>) target(%arg17 : memref<40x128xf32, #tpu.memory_space<vmem>>) offsets(%arg9 : memref<40xi32, #tpu.memory_space<vmem>>) semaphore(%arg33 : memref<!tpu.dma_semaphore, #tpu.memory_space<semaphore_mem>>)
        } else {
        }
      } else {
      }
    }
    %scan3A_69 = arith.constant 63 : i32
    %add3A_70 = arith.constant 9840 : i32
    %add3A_71 = arith.addi %mul3A_2, %add3A_70 : i32
    %dma_wait3A_72 = arith.constant 0 : i32
    %dma_wait3A_73 = tpu.memref_slice %arg4[%add3A_71, %dma_wait3A_72] : memref<320000x256xf32, #tpu.memory_space<hbm>> -> memref<40x128xf32, #tpu.memory_space<hbm>>
    %dma_wait3A_74 = arith.constant 0 : i32
    %dma_wait3A_75 = tpu.memref_slice %arg4[%add3A_71, %dma_wait3A_74] : memref<320000x256xf32, #tpu.memory_space<hbm>> -> memref<40x128xf32, #tpu.memory_space<hbm>>
    tpu.wait_dma2 semaphore(%arg42 : memref<!tpu.dma_semaphore, #tpu.memory_space<semaphore_mem>>) src(%arg18 : memref<40x128xf32, #tpu.memory_space<vmem>>) dst(%dma_wait3A_75 : memref<40x128xf32, #tpu.memory_space<hbm>>)
    %dma_wait3A_76 = arith.constant 128 : i32
    %dma_wait3A_77 = tpu.memref_slice %arg4[%add3A_71, %dma_wait3A_76] : memref<320000x256xf32, #tpu.memory_space<hbm>> -> memref<40x128xf32, #tpu.memory_space<hbm>>
    %dma_wait3A_78 = arith.constant 128 : i32
    %dma_wait3A_79 = tpu.memref_slice %arg4[%add3A_71, %dma_wait3A_78] : memref<320000x256xf32, #tpu.memory_space<hbm>> -> memref<40x128xf32, #tpu.memory_space<hbm>>
    tpu.wait_dma2 semaphore(%arg43 : memref<!tpu.dma_semaphore, #tpu.memory_space<semaphore_mem>>) src(%arg19 : memref<40x128xf32, #tpu.memory_space<vmem>>) dst(%dma_wait3A_79 : memref<40x128xf32, #tpu.memory_space<hbm>>)
    %add3A_80 = arith.constant 9880 : i32
    %add3A_81 = arith.addi %mul3A_2, %add3A_80 : i32
    %dma_wait3A_82 = arith.constant 0 : i32
    %dma_wait3A_83 = tpu.memref_slice %arg4[%add3A_81, %dma_wait3A_82] : memref<320000x256xf32, #tpu.memory_space<hbm>> -> memref<40x128xf32, #tpu.memory_space<hbm>>
    %dma_wait3A_84 = arith.constant 0 : i32
    %dma_wait3A_85 = tpu.memref_slice %arg4[%add3A_81, %dma_wait3A_84] : memref<320000x256xf32, #tpu.memory_space<hbm>> -> memref<40x128xf32, #tpu.memory_space<hbm>>
    tpu.wait_dma2 semaphore(%arg44 : memref<!tpu.dma_semaphore, #tpu.memory_space<semaphore_mem>>) src(%arg20 : memref<40x128xf32, #tpu.memory_space<vmem>>) dst(%dma_wait3A_85 : memref<40x128xf32, #tpu.memory_space<hbm>>)
    %dma_wait3A_86 = arith.constant 128 : i32
    %dma_wait3A_87 = tpu.memref_slice %arg4[%add3A_81, %dma_wait3A_86] : memref<320000x256xf32, #tpu.memory_space<hbm>> -> memref<40x128xf32, #tpu.memory_space<hbm>>
    %dma_wait3A_88 = arith.constant 128 : i32
    %dma_wait3A_89 = tpu.memref_slice %arg4[%add3A_81, %dma_wait3A_88] : memref<320000x256xf32, #tpu.memory_space<hbm>> -> memref<40x128xf32, #tpu.memory_space<hbm>>
    tpu.wait_dma2 semaphore(%arg45 : memref<!tpu.dma_semaphore, #tpu.memory_space<semaphore_mem>>) src(%arg21 : memref<40x128xf32, #tpu.memory_space<vmem>>) dst(%dma_wait3A_89 : memref<40x128xf32, #tpu.memory_space<hbm>>)
    %add3A_90 = arith.constant 9920 : i32
    %add3A_91 = arith.addi %mul3A_2, %add3A_90 : i32
    %dma_wait3A_92 = arith.constant 0 : i32
    %dma_wait3A_93 = tpu.memref_slice %arg4[%add3A_91, %dma_wait3A_92] : memref<320000x256xf32, #tpu.memory_space<hbm>> -> memref<40x128xf32, #tpu.memory_space<hbm>>
    %dma_wait3A_94 = arith.constant 0 : i32
    %dma_wait3A_95 = tpu.memref_slice %arg4[%add3A_91, %dma_wait3A_94] : memref<320000x256xf32, #tpu.memory_space<hbm>> -> memref<40x128xf32, #tpu.memory_space<hbm>>
    tpu.wait_dma2 semaphore(%arg38 : memref<!tpu.dma_semaphore, #tpu.memory_space<semaphore_mem>>) src(%arg14 : memref<40x128xf32, #tpu.memory_space<vmem>>) dst(%dma_wait3A_95 : memref<40x128xf32, #tpu.memory_space<hbm>>)
    %dma_wait3A_96 = arith.constant 128 : i32
    %dma_wait3A_97 = tpu.memref_slice %arg4[%add3A_91, %dma_wait3A_96] : memref<320000x256xf32, #tpu.memory_space<hbm>> -> memref<40x128xf32, #tpu.memory_space<hbm>>
    %dma_wait3A_98 = arith.constant 128 : i32
    %dma_wait3A_99 = tpu.memref_slice %arg4[%add3A_91, %dma_wait3A_98] : memref<320000x256xf32, #tpu.memory_space<hbm>> -> memref<40x128xf32, #tpu.memory_space<hbm>>
    tpu.wait_dma2 semaphore(%arg39 : memref<!tpu.dma_semaphore, #tpu.memory_space<semaphore_mem>>) src(%arg15 : memref<40x128xf32, #tpu.memory_space<vmem>>) dst(%dma_wait3A_99 : memref<40x128xf32, #tpu.memory_space<hbm>>)
    %add3A_100 = arith.constant 9960 : i32
    %add3A_101 = arith.addi %mul3A_2, %add3A_100 : i32
    %dma_wait3A_102 = arith.constant 0 : i32
    %dma_wait3A_103 = tpu.memref_slice %arg4[%add3A_101, %dma_wait3A_102] : memref<320000x256xf32, #tpu.memory_space<hbm>> -> memref<40x128xf32, #tpu.memory_space<hbm>>
    %dma_wait3A_104 = arith.constant 0 : i32
    %dma_wait3A_105 = tpu.memref_slice %arg4[%add3A_101, %dma_wait3A_104] : memref<320000x256xf32, #tpu.memory_space<hbm>> -> memref<40x128xf32, #tpu.memory_space<hbm>>
    tpu.wait_dma2 semaphore(%arg40 : memref<!tpu.dma_semaphore, #tpu.memory_space<semaphore_mem>>) src(%arg16 : memref<40x128xf32, #tpu.memory_space<vmem>>) dst(%dma_wait3A_105 : memref<40x128xf32, #tpu.memory_space<hbm>>)
    %dma_wait3A_106 = arith.constant 128 : i32
    %dma_wait3A_107 = tpu.memref_slice %arg4[%add3A_101, %dma_wait3A_106] : memref<320000x256xf32, #tpu.memory_space<hbm>> -> memref<40x128xf32, #tpu.memory_space<hbm>>
    %dma_wait3A_108 = arith.constant 128 : i32
    %dma_wait3A_109 = tpu.memref_slice %arg4[%add3A_101, %dma_wait3A_108] : memref<320000x256xf32, #tpu.memory_space<hbm>> -> memref<40x128xf32, #tpu.memory_space<hbm>>
    tpu.wait_dma2 semaphore(%arg41 : memref<!tpu.dma_semaphore, #tpu.memory_space<semaphore_mem>>) src(%arg17 : memref<40x128xf32, #tpu.memory_space<vmem>>) dst(%dma_wait3A_109 : memref<40x128xf32, #tpu.memory_space<hbm>>)
    return
  }
}

</mosaic_0001>

<sc_bundles>
// kernel: kernel.3.cloned.1.call-start
scs
__scs_entry_jumppad:
0x0: {  	(pc) =	sbr.rel $0x88, $3  }
0x1: {  	(tag) =	ssettag $0x0;
	lr =	simm.s32 $0x1  }
0x2: {  	[smem:$0x3F9F] =	sst lr;
	_ =	strace $0xD0000000  }
0x3: {  	_ = 	snop  }
0x4: {  	_ = 	snop  }
0x5: {  	_ = 	snop  }
0x6: {  	_ = 	snop  }
0x7: {  	_ = 	snop  }
__scs_overlays_trampoline_lowered:
0x8: {  	[smem:$0x3FAE] =	sst s0  }
0x9: {  	[smem:$0x3FAF] =	sst s1  }
0xa: {  	[smem:$0x3FB0] =	sst s2  }
0xb: {  	[smem:$0x3FB1] =	sst s3  }
0xc: {  	[smem:$0x3FB2] =	sst s4  }
0xd: {  	[smem:$0x3FB3] =	sst s5  }
0xe: {  	[smem:$0x3FB4] =	sst s6  }
0xf: {  	[smem:$0x3FB5] =	sst s7  }
0x10: {  	[smem:$0x3FB6] =	sst s8  }
0x11: {  	[smem:$0x3FB7] =	sst s9;
	s0 =	simm.s32 @!p0 $0x0  }
0x12: {  	s1 =	sld [smem:$0x3F9D];
	s0 =	simm.s32 @p0 $0x1  }
0x13: {  	[smem:$0x3FB8] =	sst s0;
	s0 =	simm.s32 @!p1 $0x0  }
0x14: {  	s2 =	sld [smem:$0x3F9C];
	s0 =	simm.s32 @p1 $0x1  }
0x15: {  	[smem:$0x3FB9] =	sst s0;
	s0 =	simm.s32 @!p2 $0x0  }
0x16: {  	s3 =	sld [smem:$0x3FDB];
	s0 =	simm.s32 @p2 $0x1  }
0x17: {  	s4 =	simm.s32 $0x1BF5;
	[smem:$0x3FBB] =	sst s0  }
0x18: {  	s0 =	sld [smem:$0x3F9E];
	_ =	swait.ge [sflag:s4], $0x0  }
0x19: {  	s7 =	sld [smem:$0x3F9F]  }
0x1a: {  	s8 =	sadd.s32 $0xFFFFE003, lr  }
0x1b: {  	s9 =	sadd.s32 $0xFFFFFEF7, lr;
	s5 =	simm.s32 $0xFFFFFFFF;
	p2 =	slt.u32 s8, $0xFFFFF086  }
0x1c: {  	p1 =	slt.u32 s9, $0xF7A;
	s5 =	simm.s32 @!p2 $0x0  }
0x1d: {  	s5 =	simm.s32 @p1 $0x1;
	p0 =	seq.s32 s7, s2  }
0x1e: {  	s7 =	smul.u32 @!p0 $0xF7A, s2;
	p2 =	seq.s32 @!p0 s5, $0x0  }
0x1f: {  	s9 =	smul.u32 $0xF7A, s1;
	s8 =	simm.s32 @!p0 $0x1BF5;
	p2 =	por !p2, p0  }
0x20: {  	[sflag:s8] =	ssyncset.s32 @!p0 $0xFFFFF086;
	s6 =	sadd.s32 @!p0 s3, s7;
	s7 =	simm.s32 @!p0 $0x108  }
0x21: {  	s3 =	sadd.s32 s3, s9;
	s6 =	sadd.s32 @!p0 $0x88, s6;
	s7 =	simm.s32 @p2 $0x1082  }
0x22: {  	[simem:s7], [sflag:s8] =	dma.local @!p0 [hbm:s6], $0xF7A  }
0x23: {  	s9 =	sor.u32 $0xD0000000, s2;
	s6 =	simm.s32 $0x108;
	_ =	swait.ge @!p0 [sflag:s8], $0x0  }
0x24: {  	s3 =	sadd.s32 $0x88, s3;
	s6 =	simm.s32 @!p1 $0x1082;
	[sflag:s4] =	ssyncset.s32 $0xFFFFF086  }
0x25: {  	[simem:s6], [sflag:s4] =	dma.local [hbm:s3], $0xF7A  }
0x26: {  	[smem:$0x3F9F] =	sst s1;
	(tag) =	ssettag s2;
	_ =	strace s9  }
0x27: {  	s1 =	sld [smem:$0x3FAF]  }
0x28: {  	s2 =	sld [smem:$0x3FB0]  }
0x29: {  	s4 =	sld [smem:$0x3FB2]  }
0x2a: {  	p0 =	seq.s32 s5, $0x0;
	s5 =	sld [smem:$0x3FB3]  }
0x2b: {  	s6 =	sld [smem:$0x3FB4]  }
0x2c: {  	s7 =	sld [smem:$0x3FB5]  }
0x2d: {  	s3 =	simm.s32 $0x108;
	s8 =	sld [smem:$0x3FB6]  }
0x2e: {  	s3 =	simm.s32 @!p0 $0x1082;
	s9 =	sld [smem:$0x3FB7]  }
0x2f: {  	lr =	sadd.s32 s0, s3;
	s0 =	sld [smem:$0x3FAE]  }
0x30: {  	s3 =	sld [smem:$0x3FB1]  }
0x31: {  	[smem:$0x3FBA] =	sst s10  }
0x32: {  	s10 =	sld [smem:$0x3FB8];
	_ =	sdelay $0x3  }
0x33: {  	p0 =	seq.s32 s10, $0x1;
	s10 =	sld [smem:$0x3FBA];
	_ =	sdelay $0x3  }
0x34: {  	[smem:$0x3FBA] =	sst s10  }
0x35: {  	s10 =	sld [smem:$0x3FB9];
	_ =	sdelay $0x3  }
0x36: {  	p1 =	seq.s32 s10, $0x1;
	s10 =	sld [smem:$0x3FBA];
	_ =	sdelay $0x3  }
0x37: {  	[smem:$0x3FBA] =	sst s10  }
0x38: {  	s10 =	sld [smem:$0x3FBB]  }
0x39: {  	_ = 	snop;
	(pc) =	sbr.ind lr, $3  }
0x3a: {  	_ = 	snop  }
0x3b: {  	_ = 	snop  }
0x3c: {  	p2 =	seq.s32 s10, $0x1;
	s10 =	sld [smem:$0x3FBA]  }
0x3d: {  	_ =	shalt  }
0x3e: {  	_ =	shalt  }
0x3f: {  	_ =	shalt  }
0x40: {  	_ =	shalt  }
0x41: {  	_ =	shalt  }
0x42: {  	_ =	shalt  }
0x43: {  	_ =	shalt  }
0x44: {  	_ =	shalt  }
0x45: {  	_ =	shalt  }
0x46: {  	_ =	shalt  }
0x47: {  	_ =	shalt  }
0x48: {  	_ =	shalt  }
0x49: {  	_ =	shalt  }
0x4a: {  	_ =	shalt  }
0x4b: {  	_ =	shalt  }
0x4c: {  	_ =	shalt  }
0x4d: {  	_ =	shalt  }
0x4e: {  	_ =	shalt  }
0x4f: {  	_ =	shalt  }
0x50: {  	_ =	shalt  }
0x51: {  	_ =	shalt  }
0x52: {  	_ =	shalt  }
0x53: {  	_ =	shalt  }
0x54: {  	_ =	shalt  }
0x55: {  	_ =	shalt  }
0x56: {  	_ =	shalt  }
0x57: {  	_ =	shalt  }
0x58: {  	_ =	shalt  }
0x59: {  	_ =	shalt  }
0x5a: {  	_ =	shalt  }
0x5b: {  	_ =	shalt  }
0x5c: {  	_ =	shalt  }
0x5d: {  	_ =	shalt  }
0x5e: {  	_ =	shalt  }
0x5f: {  	_ =	shalt  }
0x60: {  	_ =	shalt  }
0x61: {  	_ =	shalt  }
0x62: {  	_ =	shalt  }
0x63: {  	_ =	shalt  }
0x64: {  	_ =	shalt  }
0x65: {  	_ =	shalt  }
0x66: {  	_ =	shalt  }
0x67: {  	_ =	shalt  }
0x68: {  	_ =	shalt  }
0x69: {  	_ =	shalt  }
0x6a: {  	_ =	shalt  }
0x6b: {  	_ =	shalt  }
0x6c: {  	_ =	shalt  }
0x6d: {  	_ =	shalt  }
0x6e: {  	_ =	shalt  }
0x6f: {  	_ =	shalt  }
0x70: {  	_ =	shalt  }
0x71: {  	_ =	shalt  }
0x72: {  	_ =	shalt  }
0x73: {  	_ =	shalt  }
0x74: {  	_ =	shalt  }
0x75: {  	_ =	shalt  }
0x76: {  	_ =	shalt  }
0x77: {  	_ =	shalt  }
0x78: {  	_ =	shalt  }
0x79: {  	_ =	shalt  }
0x7a: {  	_ =	shalt  }
0x7b: {  	_ =	shalt  }
0x7c: {  	_ =	shalt  }
0x7d: {  	_ =	shalt  }
0x7e: {  	_ =	shalt  }
0x7f: {  	_ =	shalt  }
0x80: {  	_ =	shalt  }
0x81: {  	_ =	shalt  }
0x82: {  	_ =	shalt  }
0x83: {  	_ =	shalt  }
0x84: {  	_ =	shalt  }
0x85: {  	_ =	shalt  }
0x86: {  	_ =	shalt  }
0x87: {  	_ =	shalt  }
.Lfunc_end0:
.L_simem_size_0:
called_computation_lowered:
.L_overlay_start_0:
0x88: {  	s2 =	sld [smem:$0x3FD9]  }
0x89: {  	s3 =	sld [smem:$0x3FFE];
	_ =	sdelay $0x1  }
0x8a: {  	s1 =	srdreg.scid  }
0x8b: {  	s0 =	sand.u32 $0x1, s1  }
0x8c: {  	s17 =	sshll.u32 s0, $0xA;
	s2 =	sadd.s32 s3, s2  }
0x8d: {  	s2 =	sadd.s32 s2, s17  }
0x8e: {  	[smem:$0x3FC6] =	sst s2  }
0x8f: {  	_ = 	snop  }
0x90: {  	s2 =	sld [smem:$0x3FC9]  }
0x91: {  	s18 =	sld [smem:$0x3FD0];
	(tm) =	ssettm $0x1  }
0x92: {  	s4 =	sld [smem:$0x3FFB];
	_ =	sdelay $0x3  }
0x93: {  	_ =	strace s4  }
0x94: {  	s4 =	sld [smem:$0x3FFC];
	_ =	sdelay $0x3  }
0x95: {  	_ =	strace s4  }
0x96: {  	s4 =	sld [smem:$0x3FFD];
	_ =	sdelay $0x3  }
0x97: {  	_ =	strace s4  }
0x98: {  	_ =	strace $0x8FFFFFFF  }
0x99: {  	s19 =	sld [smem:$0x3FDB];
	_ =	sdelay $0x1  }
0x9a: {  	s5 =	simm.s32 $_scs_section_size  }
0x9b: {  	s6 =	simm.s32 $_size__tile_overlayer_lowered;
	s7 =	simm.s32 $_tile_overlayer_lowered  }
0x9c: {  	s22 =	simm.s32 $0x1BFF;
	s21 =	sshll.u32 s7, $0x1;
	s4 =	sadd.s32 s5, s19  }
0x9d: {  	s8 =	simm.s32 $0x0;
	s20 =	sshll.u32 s6, $0x1;
	s6 =	sadd.s32 s21, s4  }
0x9e: {  	[timem:s8], [sflag:s22] =	dma.local [hbm:s6], s20  }
0x9f: {  	_ =	swait.ge [sflag:s22], s20  }
0xa0: {  	s5 =	ssub.s32 $0x0, s20;
	[sflag:s22] =	ssyncset.done $0x0  }
0xa1: {  	[sflag:s22] =	ssyncadd.s32 s5;
	_ =	sdelay $0x1  }
0xa2: {  	s23 =	simm.s32 $0x1B8B  }
0xa3: {  	_ =	swait.ge [sflag:s23], $0x1  }
0xa4: {  	[sflag:s23] =	ssyncset.done $0x0  }
0xa5: {  	s25 =	simm.s32 $0x1B8E;
	s24 =	sld [smem:$0x3FFE];
	[sflag:s23] =	ssyncadd.s32 $0xFFFFFFFF  }
0xa6: {  	s26 =	simm.s32 $execute0_lowered;
	[smem:$0x3FD2] =	sst s25  }
0xa7: {  	s6 =	sshll.u32 s26, $0x1;
	_ =	strace $0x80000046;
	[dreg:$0x1] =	wrdreg $0xFFFFFFFF  }
0xa8: {  	s28 =	simm.s32 $_size_execute0_lowered;
	s4 =	sadd.s32 s4, s6;
	[dreg:$0x0] =	wrdreg $0x0  }
0xa9: {  	s6 =	sshll.u32 s28, $0x1;
	[dreg:$0x2] =	wrdreg s4  }
0xaa: {  	[dreg:$0x3] =	wrdreg s6  }
0xab: {  	[dreg:$0x4] =	wrdreg $0xC0  }
0xac: {  	_ =	task [dreg:s8], $0x5FFFF  }
0xad: {  	[dreg:$0x1] =	wrdreg $0xFFFFFFFF  }
0xae: {  	[dreg:$0x0] =	wrdreg $0x60  }
0xaf: {  	[dreg:$0x2] =	wrdreg s2  }
0xb0: {  	[dreg:$0x3] =	wrdreg s24  }
0xb1: {  	[dreg:$0x4] =	wrdreg s18  }
0xb2: {  	[dreg:$0x5] =	wrdreg $0x0  }
0xb3: {  	[dreg:$0x6] =	wrdreg $0x9  }
0xb4: {  	_ =	task.clear_ibuf [dreg:s8], $0x7FFFF;
	_ =	strace $0x90000046  }
0xb5: {  	s29 =	simm.s32 $0x9;
	_ =	strace $0x80000048  }
0xb6: {  	_ =	swait.ge [sflag:s29], $0x1  }
0xb7: {  	[sflag:s29] =	ssyncadd.s32 $0xFFFFFFFF  }
0xb8: {  	_ =	strace $0x90000048  }
0xb9: {  	_ =	sfence  }
0xba: {  	s30 =	sld [smem:$0x0];
	_ =	sdelay $0x2  }
0xbb: {  	s31 =	sshll.u32 s1, $0xD;
	s1 =	sshrl.u32 s1, $0x2  }
0xbc: {  	s3 =	sand.u32 $0x4000, s31;
	s1 =	sadd.s32 s1, s30  }
0xbd: {  	s0 =	sor.u32 s3, s0;
	s1 =	sshll.u32 s1, $0x11  }
0xbe: {  	s0 =	sor.u32 s1, s0  }
0xbf: {  	s0 =	sadd.s32 $0x8F2B, s0  }
0xc0: {  	[sflag:s0] =	ssyncadd.remote.s32 $0x1  }
0xc1: {  	_ =	sfence.sel $0xFFFF  }
0xc2: {  	[dreg:$0x0] =	wrdreg $0xFFFFFFFF;
	(pc) =	sbr.abs _section_cstart, $3  }
0xc3: {  	[dreg:$0x1] =	wrdreg $0xFFFFFFFF  }
0xc4: {  	_ =	task.clear_ibuf [dreg:s8], $0x2FFFF;
	_ =	strace $0x9FFFFFFF  }
0xc5: {  	(tm) =	ssettm $0x7FFFFFFF  }
tec
execute0_lowered:
.L_overlay_start_1:
0x0: {  	(tag) =	ssettag $0x1  }
0x1: {  	s0 =	rddreg [dreg:$0x0]  }
0x2: {  	s2 =	rddreg [dreg:$0x1]  }
0x3: {  	s4 =	rddreg [dreg:$0x2]  }
0x4: {  	s1 =	rddreg [dreg:$0x3];
	s3 =	simm.s32 $0x0;
	s5 =	srdreg.scid  }
0x5: {  	s9 =	stileid.u32;
	s10 =	simm.s32 $0x2800;
	s28 =	simm.s32 $0x800  }
0x6: {  	s29 =	simm.s32 $0xB;
	s30 =	simm.s32 $0x13;
	s8 =	smul.u32 $0x4E000, s9  }
0x7: {  	s31 =	simm.s32 $0x14;
	[smem:$0x7FF] =	sst s3;
	s16 =	smul.u32 $0x2700, s9  }
0x8: {  	s5 =	sand.u32 $0x1, s5;
	s6 =	sshll.u32 s9, $0x1;
	s23 =	smul.u32 $0x9C400, s9  }
0x9: {  	p0 =	seq.s32 s9, $0xF;
	s17 =	sshll.u32 s9, $0x6;
	s9 =	smul.u32 $0x4E20, s9  }
0xa: {  	s15 =	sadd.s32 $0x400, s2;
	_ =	strace $0x80000047;
	s25 =	smul.u32 $0x2710, s5  }
0xb: {  	s7 =	ssub.s32 $0x2, s5;
	s6 =	sor.u32 s5, s6;
	s5 =	smul.u32 $0x4E200, s5  }
0xc: {  	s10 =	simm.s32 @!p0 $0x2700;
	s13 =	sshrl.u32 s7, $0x1;
	s6 =	smul.u32 $0x2710, s6  }
0xd: {  	s14 =	sshrl.u32 s8, $0x2;
	s0 =	sadd.s32 s0, s16;
	[dreg:$0x5] =	wrdreg s10  }
0xe: {  	s8 =	simm.s32 $0xFFFFD800;
	[dreg:$0x6] =	wrdreg s0;
	s0 =	sor.u32 $0x1C19, s17  }
0xf: {  	s2 =	ssub.s32 s7, s13;
	s8 =	simm.s32 @!p0 $0xFFFFD900;
	[dreg:$0x7] =	wrdreg s0  }
0x10: {  	s7 =	sadd.s32 s14, s1;
	s18 =	sshrl.u32 s6, $0x3;
	[dreg:$0x8] =	wrdreg s8  }
0x11: {  	s19 =	sadd.s32 $0x28, s6;
	s21 =	sadd.s32 $0x4E228, s6;
	s24 =	sadd.s32 $0x78, s6  }
0x12: {  	s6 =	sadd.s32 $0x4E278, s6;
	s8 =	sadd.s32 s25, s9;
	s2 =	smax.u32 s2, $0x1  }
0x13: {  	s11 =	sadd.s32 s15, s18;
	s0 =	sshrl.u32 s19, $0x3;
	s22 =	sshrl.u32 s21, $0x3  }
0x14: {  	s26 =	sshrl.u32 s6, $0x3;
	s6 =	sadd.s32 s23, s4;
	[dreg:$0xf] =	wrdreg s2  }
0x15: {  	s9 =	sadd.s32 $0x118, s8;
	s10 =	sadd.s32 $0x4E318, s8;
	s12 =	sadd.s32 $0xF0, s8  }
0x16: {  	s14 =	sadd.s32 $0x4E2F0, s8;
	s17 =	sadd.s32 $0xC8, s8;
	s18 =	sadd.s32 $0x4E2C8, s8  }
0x17: {  	s19 =	sadd.s32 $0x4E2A0, s8;
	s23 =	sshrl.u32 s7, $0x3;
	s7 =	simm.s32 $0x12  }
0x18: {  	s4 =	simm.s32 $0x0;
	s20 =	sadd.s32 $0x9C40, s11;
	[dreg:$0x15] =	wrdreg s23  }
0x19: {  	s0 =	sadd.s32 s15, s0;
	s16 =	sadd.s32 s5, s6;
	[dreg:$0x9] =	wrdreg s11  }
0x1a: {  	s13 =	sshrl.u32 s12, $0x3;
	s21 =	sshrl.u32 s17, $0x3;
	[dreg:$0xa] =	wrdreg s20  }
0x1b: {  	s25 =	sadd.s32 $0xA, s11;
	s23 =	simm.s32 $0xA;
	[dreg:$0xb] =	wrdreg s0  }
0x1c: {  	s5 =	simm.s32 $0xC;
	s12 =	simm.s32 $0x13980;
	[dreg:$0x12] =	wrdreg s13  }
0x1d: {  	s6 =	simm.s32 $0x1C880;
	s0 =	sadd.s32 s15, s22;
	[dreg:$0x16] =	wrdreg s25  }
0x1e: {  	s20 =	sadd.s32 $0xA0, s8;
	[dreg:$0xc] =	wrdreg s0;
	s0 =	sshrl.u32 s24, $0x3  }
0x1f: {  	s22 =	sshrl.u32 s18, $0x3;
	[dreg:$0x14] =	wrdreg s20;
	s0 =	sadd.s32 s15, s0  }
0x20: {  	s25 =	simm.s32 $0x9;
	[dreg:$0xd] =	wrdreg s0;
	s0 =	sadd.s32 s15, s26  }
.Ltmp0:
0x21: {  	s26 =	sadd.s32 $0x9C4A, s11;
	[dreg:$0xe] =	wrdreg s0;
	(pc) =	sbr.rel .LBB2_1-.Ltmp0, $4  }
0x22: {  	s24 =	sshrl.u32 s19, $0x3;
	s0 =	sshrl.u32 s9, $0x3;
	[dreg:$0x17] =	wrdreg s26  }
0x23: {  	s11 =	simm.s32 $0x28;
	[dreg:$0x10] =	wrdreg s0;
	s0 =	sshrl.u32 s10, $0x3  }
0x24: {  	s26 =	simm.s32 $0x400;
	[dreg:$0x11] =	wrdreg s0;
	s0 =	sshrl.u32 s14, $0x3  }
0x25: {  	s14 =	simm.s32 $0x1B480;
	[dreg:$0x13] =	wrdreg s0;
	s0 =	simm.s32 $0x2  }
.LBB2_6:
0x26: {  	s2 =	simm.s32 $0x15  }
0x27: {  	_ =	swait.ge [sflag:s2], $0x1400  }
0x28: {  	[sflag:s2] =	ssyncset.done $0x0  }
0x29: {  	s13 =	simm.s32 $0x16;
	[sflag:s2] =	ssyncadd.s32 $0xFFFFEC00  }
0x2a: {  	_ =	swait.ge [sflag:s13], $0x1400  }
0x2b: {  	[sflag:s13] =	ssyncset.done $0x0  }
0x2c: {  	s17 =	simm.s32 $0x17;
	[sflag:s13] =	ssyncadd.s32 $0xFFFFEC00  }
0x2d: {  	_ =	swait.ge [sflag:s17], $0x1400  }
0x2e: {  	[sflag:s17] =	ssyncset.done $0x0  }
0x2f: {  	s18 =	simm.s32 $0x18;
	[sflag:s17] =	ssyncadd.s32 $0xFFFFEC00  }
0x30: {  	_ =	swait.ge [sflag:s18], $0x1400  }
0x31: {  	[sflag:s18] =	ssyncset.done $0x0  }
0x32: {  	s19 =	simm.s32 $0x11;
	[sflag:s18] =	ssyncadd.s32 $0xFFFFEC00  }
0x33: {  	_ =	swait.ge [sflag:s19], $0x1400  }
0x34: {  	[sflag:s19] =	ssyncset.done $0x0  }
0x35: {  	[sflag:s19] =	ssyncadd.s32 $0xFFFFEC00  }
0x36: {  	_ =	swait.ge [sflag:s7], $0x1400  }
0x37: {  	[sflag:s7] =	ssyncset.done $0x0  }
0x38: {  	[sflag:s7] =	ssyncadd.s32 $0xFFFFEC00  }
0x39: {  	_ =	swait.ge [sflag:s30], $0x1400  }
0x3a: {  	[sflag:s30] =	ssyncset.done $0x0  }
0x3b: {  	[sflag:s30] =	ssyncadd.s32 $0xFFFFEC00  }
0x3c: {  	_ =	swait.ge [sflag:s31], $0x1400  }
0x3d: {  	s4 =	rddreg [dreg:$0x18]  }
0x3e: {  	s20 =	rddreg [dreg:$0xf];
	s4 =	sadd.s32 $0x1, s4  }
0x3f: {  	p0 =	sne.s32 s4, s20  }
.Ltmp1:
0x40: {  	_ = 	snop;
	(pc) =	sbr.rel @!p0 .LBB2_7-.Ltmp1, $3  }
0x41: {  	_ =	sdelay $0x1  }
0x42: {  	[sflag:s31] =	ssyncset.done $0x0  }
0x43: {  	[sflag:s31] =	ssyncadd.s32 $0xFFFFEC00  }
.LBB2_1:
0x44: {  	[dreg:$0x18] =	wrdreg s4  }
0x45: {  	s2 =	rddreg [dreg:$0x5]  }
0x46: {  	s8 =	rddreg [dreg:$0x6]  }
0x47: {  	s9 =	rddreg [dreg:$0x7]  }
0x48: {  	s10 =	rddreg [dreg:$0x15]  }
0x49: {  	[spmem:s10], [sflag:s9] =	dma.local [hbm:s8], s2  }
0x4a: {  	s10 =	simm.s32 $0x19  }
0x4b: {  	_ =	swait.ge [sflag:s10], s2  }
0x4c: {  	[sflag:s10] =	ssyncset.done $0x0;
	s2 =	rddreg [dreg:$0x8]  }
0x4d: {  	[sflag:s10] =	ssyncadd.s32 s2  }
0x4e: {  	[bflag:$0x0] =	sbarrier.arrive $0xFFFF  }
0x4f: {  	s4 =	simm.s32 $0x13880;
	s13 =	rddreg [dreg:$0x9]  }
0x50: {  	[tilespmem:s4], [sflag:$0x1] =	stream.linear.gather [hbm4b:s13+s3], $0x28, $0x38;
	[tilespmem:$0x1DC80] =	vst v63  }
0x51: {  	s9 =	simm.s32 $0x13900;
	s17 =	rddreg [dreg:$0xa]  }
0x52: {  	[tilespmem:s9], [sflag:$0x2] =	stream.linear.gather [hbm4b:s17+s3], $0x28, $0x38;
	[tilespmem:$0x1DC80] =	vst v63  }
0x53: {  	s10 =	simm.s32 $0x13980;
	s18 =	rddreg [dreg:$0xb]  }
0x54: {  	[tilespmem:s10], [sflag:$0x3] =	stream.linear.gather [hbm4b:s18+s3], $0x28, $0x38;
	[tilespmem:$0x1DC80] =	vst v63  }
0x55: {  	s19 =	rddreg [dreg:$0xc];
	s13 =	simm.s32 $0x13A00  }
0x56: {  	[tilespmem:s13], [sflag:$0x4] =	stream.linear.gather [hbm4b:s19+s3], $0x28, $0x38;
	[tilespmem:$0x1DC80] =	vst v63  }
0x57: {  	s8 =	simm.s32 $0x13A80;
	s20 =	rddreg [dreg:$0x16]  }
0x58: {  	[tilespmem:s8], [sflag:$0x5] =	stream.linear.gather [hbm4b:s20+s3], $0x28, $0x38;
	[tilespmem:$0x1DC80] =	vst v63  }
0x59: {  	s17 =	rddreg [dreg:$0x17];
	s18 =	simm.s32 $0x13B00  }
0x5a: {  	[tilespmem:s18], [sflag:$0x6] =	stream.linear.gather [hbm4b:s17+s3], $0x28, $0x38;
	[tilespmem:$0x1DC80] =	vst v63  }
0x5b: {  	s19 =	rddreg [dreg:$0xd];
	s20 =	simm.s32 $0x13B80  }
0x5c: {  	[tilespmem:s20], [sflag:$0x7] =	stream.linear.gather [hbm4b:s19+s3], $0x28, $0x38;
	[tilespmem:$0x1DC80] =	vst v63  }
0x5d: {  	s17 =	rddreg [dreg:$0xe];
	s18 =	simm.s32 $0x13C00;
	s19 =	simm.s32 $0x1  }
0x5e: {  	[tilespmem:s18], [sflag:$0x8] =	stream.linear.gather [hbm4b:s17+s3], $0x28, $0x38;
	[tilespmem:$0x1DC80] =	vst v63  }
0x5f: {  	_ =	swait.ge [sflag:s19], $0x28  }
0x60: {  	[sflag:s19] =	ssyncset.done $0x0  }
0x61: {  	[sflag:s19] =	ssyncadd.s32 $0xFFFFFFD8  }
0x62: {  	_ =	swait.ge [sflag:s0], $0x28  }
0x63: {  	[sflag:s0] =	ssyncset.done $0x0  }
0x64: {  	s20 =	simm.s32 $0x13C80;
	[sflag:s0] =	ssyncadd.s32 $0xFFFFFFD8  }
0x65: {  	[tilespmem:s20], [sflag:$0x9] =	stream.indirect.gather [spmem:s1], $0x80, s4, s11, $0xb8;
	[tilespmem:$0x1DC80] =	vst v63  }
0x66: {  	s8 =	simm.s32 $0x15080;
	s17 =	simm.s32 $0x3  }
0x67: {  	[tilespmem:s8], [sflag:$0xA] =	stream.indirect.gather [spmem:s1], $0x80, s9, s11, $0xb8;
	[tilespmem:$0x1DC80] =	vst v63  }
0x68: {  	_ =	swait.ge [sflag:s17], $0x28  }
0x69: {  	[sflag:s17] =	ssyncset.done $0x0  }
0x6a: {  	s18 =	simm.s32 $0x4;
	[sflag:s17] =	ssyncadd.s32 $0xFFFFFFD8  }
0x6b: {  	_ =	swait.ge [sflag:s18], $0x28  }
0x6c: {  	s19 =	simm.s32 $0x16480;
	[sflag:s18] =	ssyncset.done $0x0  }
.Ltmp2:
0x6d: {  	s20 =	simm.s32 $0x17880;
	[sflag:s18] =	ssyncadd.s32 $0xFFFFFFD8;
	(pc) =	sbr.rel .LBB2_2-.Ltmp2, $4  }
0x6e: {  	[tilespmem:s19], [sflag:$0xB] =	stream.indirect.gather [spmem:s1], $0x80, s10, s11, $0xb8;
	[tilespmem:$0x1DC80] =	vst v63  }
0x6f: {  	s4 =	smov.u32 s15;
	s8 =	simm.s32 $0x13A00;
	s9 =	simm.s32 $0x0  }
0x70: {  	[tilespmem:s20], [sflag:$0xC] =	stream.indirect.gather [spmem:s1], $0x80, s13, s11, $0xb8;
	[tilespmem:$0x1DC80] =	vst v63  }
0x71: {  	s17 =	rddreg [dreg:$0x14];
	s18 =	simm.s32 $0x0;
	s13 =	simm.s32 $0x2  }
.LBB2_5:
0x72: {  	s18 =	sadd.s32 $0x1400, s18  }
0x73: {  	p0 =	sne.s32 s18, $0x4EC00  }
.Ltmp3:
0x74: {  	_ = 	snop;
	(pc) =	sbr.rel @!p0 .LBB2_6-.Ltmp3, $3  }
0x75: {  	_ =	sdelay $0x1  }
0x76: {  	s9 =	sadd.s32 $0x1, s9  }
0x77: {  	s4 =	sadd.s32 $0x14, s4;
	s17 =	sadd.s32 $0xA0, s17;
	s13 =	sadd.s32 $0x4, s13  }
.LBB2_2:
0x78: {  	_ =	swait.ge [sflag:s25], $0x1400  }
0x79: {  	[sflag:s25] =	ssyncset.done $0x0  }
0x7a: {  	[sflag:s25] =	ssyncadd.s32 $0xFFFFEC00  }
0x7b: {  	_ =	swait.ge [sflag:s23], $0x1400  }
0x7c: {  	[sflag:s23] =	ssyncset.done $0x0  }
0x7d: {  	s19 =	sadd.s32 s18, s16;
	s2 =	simm.s32 $0x13C80;
	[sflag:s23] =	ssyncadd.s32 $0xFFFFEC00  }
0x7e: {  	[hbm4b:s19+s26] =	stream.strided.scatter [tilespmem:s2], [sflag:$0x11], $0x1400, s28, s26, $0x38;
	[tilespmem:$0x1DC80] =	vst v63  }
0x7f: {  	s10 =	simm.s32 $0x15080;
	p0 =	seq.s32 s18, $0x4D800;
	s20 =	sadd.s32 $0x80, s19  }
0x80: {  	[hbm4b:s20+s26] =	stream.strided.scatter [tilespmem:s10], [sflag:$0x12], $0x1400, s28, s26, $0x38;
	[tilespmem:$0x1DC80] =	vst v63  }
0x81: {  	s20 =	sshrl.u32 @!p0 s17, $0x3  }
0x82: {  	s2 =	simm.s32 @!p0 $0x0;
	s10 =	simm.s32 @!p0 $0x13880;
	s20 =	sadd.s32 @!p0 s15, s20  }
0x83: {  	[tilespmem:s10], [sflag:$0x1] =	stream.linear.gather @!p0 [hbm4b:s20+s2], $0x28, $0x38;
	[tilespmem:$0x1DC80] =	vst v63  }
0x84: {  	s10 =	sadd.s32 @!p0 s4, s24;
	s20 =	simm.s32 @!p0 $0x13900  }
0x85: {  	[tilespmem:s20], [sflag:$0x2] =	stream.linear.gather @!p0 [hbm4b:s10+s2], $0x28, $0x38;
	[tilespmem:$0x1DC80] =	vst v63  }
0x86: {  	s2 =	simm.s32 @!p0 $0x5  }
0x87: {  	_ =	swait.ge @!p0 [sflag:s2], $0x28  }
0x88: {  	[sflag:s2] =	ssyncset.done @!p0 $0x0  }
0x89: {  	[sflag:s2] =	ssyncadd.s32 @!p0 $0xFFFFFFD8;
	s2 =	simm.s32 @!p0 $0x6  }
0x8a: {  	p1 =	seq.s32 @!p0 s18, $0x0;
	_ =	swait.ge @!p0 [sflag:s2], $0x28  }
0x8b: {  	p1 =	por p1, p0;
	[sflag:s2] =	ssyncset.done @!p0 $0x0  }
0x8c: {  	[sflag:s2] =	ssyncadd.s32 @!p0 $0xFFFFFFD8;
	s2 =	simm.s32 @!p1 $0x15  }
0x8d: {  	_ =	swait.ge @!p1 [sflag:s2], $0x1400  }
0x8e: {  	[sflag:s2] =	ssyncset.done @!p1 $0x0  }
0x8f: {  	[sflag:s2] =	ssyncadd.s32 @!p1 $0xFFFFEC00;
	s2 =	simm.s32 @!p1 $0x16  }
0x90: {  	_ =	swait.ge @!p1 [sflag:s2], $0x1400  }
0x91: {  	s10 =	simm.s32 @!p0 $0x13A80;
	[sflag:s2] =	ssyncset.done @!p1 $0x0  }
0x92: {  	s20 =	simm.s32 @!p0 $0x18C80;
	[sflag:s2] =	ssyncadd.s32 @!p1 $0xFFFFEC00;
	s2 =	simm.s32 @!p0 $0x28  }
0x93: {  	[tilespmem:s20], [sflag:$0xD] =	stream.indirect.gather @!p0 [spmem:s1], $0x80, s10, s2, $0xb8;
	[tilespmem:$0x1DC80] =	vst v63  }
0x94: {  	s10 =	simm.s32 @!p0 $0x13B00;
	s20 =	simm.s32 @!p0 $0x1A080  }
0x95: {  	[tilespmem:s20], [sflag:$0xE] =	stream.indirect.gather @!p0 [spmem:s1], $0x80, s10, s2, $0xb8;
	[tilespmem:$0x1DC80] =	vst v63  }
0x96: {  	_ =	swait.ge [sflag:s29], $0x1400  }
0x97: {  	[sflag:s29] =	ssyncset.done $0x0  }
0x98: {  	[sflag:s29] =	ssyncadd.s32 $0xFFFFEC00  }
0x99: {  	_ =	swait.ge [sflag:s5], $0x1400  }
.Ltmp4:
0x9a: {  	[sflag:s5] =	ssyncset.done $0x0;
	(pc) =	sbr.rel @p0 .LBB2_6-.Ltmp4, $4  }
0x9b: {  	s10 =	sadd.s32 $0x500, s19;
	s20 =	simm.s32 $0x16480;
	[sflag:s5] =	ssyncadd.s32 $0xFFFFEC00  }
0x9c: {  	[hbm4b:s10+s26] =	stream.strided.scatter [tilespmem:s20], [sflag:$0x13], $0x1400, s28, s26, $0x38;
	[tilespmem:$0x1DC80] =	vst v63  }
0x9d: {  	s10 =	sadd.s32 $0x580, s19;
	s20 =	simm.s32 $0x17880  }
0x9e: {  	[hbm4b:s10+s26] =	stream.strided.scatter [tilespmem:s20], [sflag:$0x14], $0x1400, s28, s26, $0x38;
	[tilespmem:$0x1DC80] =	vst v63  }
0x9f: {  	p0 =	sgt.u32 s13, $0xF9  }
.Ltmp5:
0xa0: {  	_ = 	snop;
	(pc) =	sbr.rel @p0 .LBB2_5-.Ltmp5, $4  }
0xa1: {  	s2 =	sadd.s32 s4, s21  }
0xa2: {  	[tilespmem:s12], [sflag:$0x3] =	stream.linear.gather [hbm4b:s2+s3], $0x28, $0x38;
	[tilespmem:$0x1DC80] =	vst v63  }
0xa3: {  	s20 =	sadd.s32 s4, s22  }
0xa4: {  	[tilespmem:s8], [sflag:$0x4] =	stream.linear.gather [hbm4b:s20+s3], $0x28, $0x38;
	[tilespmem:$0x1DC80] =	vst v63  }
0xa5: {  	s2 =	simm.s32 $0x7  }
0xa6: {  	_ =	swait.ge [sflag:s2], $0x28  }
0xa7: {  	[sflag:s2] =	ssyncset.done $0x0  }
0xa8: {  	s10 =	simm.s32 $0x8;
	[sflag:s2] =	ssyncadd.s32 $0xFFFFFFD8  }
0xa9: {  	_ =	swait.ge [sflag:s10], $0x28  }
0xaa: {  	p0 =	seq.s32 s18, $0x0;
	[sflag:s10] =	ssyncset.done $0x0  }
0xab: {  	s2 =	simm.s32 @!p0 $0x17;
	[sflag:s10] =	ssyncadd.s32 $0xFFFFFFD8  }
0xac: {  	_ =	swait.ge @!p0 [sflag:s2], $0x1400  }
0xad: {  	[sflag:s2] =	ssyncset.done @!p0 $0x0  }
0xae: {  	[sflag:s2] =	ssyncadd.s32 @!p0 $0xFFFFEC00;
	s2 =	simm.s32 @!p0 $0x18  }
0xaf: {  	_ =	swait.ge @!p0 [sflag:s2], $0x1400  }
0xb0: {  	[sflag:s2] =	ssyncset.done @!p0 $0x0  }
0xb1: {  	s20 =	simm.s32 $0x13B80;
	[sflag:s2] =	ssyncadd.s32 @!p0 $0xFFFFEC00  }
0xb2: {  	[tilespmem:s14], [sflag:$0xF] =	stream.indirect.gather [spmem:s1], $0x80, s20, s11, $0xb8;
	[tilespmem:$0x1DC80] =	vst v63  }
0xb3: {  	s10 =	simm.s32 $0x13C00;
	s20 =	simm.s32 $0xD  }
0xb4: {  	[tilespmem:s6], [sflag:$0x10] =	stream.indirect.gather [spmem:s1], $0x80, s10, s11, $0xb8;
	[tilespmem:$0x1DC80] =	vst v63  }
0xb5: {  	_ =	swait.ge [sflag:s20], $0x1400  }
0xb6: {  	[sflag:s20] =	ssyncset.done $0x0  }
0xb7: {  	s10 =	simm.s32 $0xE;
	[sflag:s20] =	ssyncadd.s32 $0xFFFFEC00  }
0xb8: {  	_ =	swait.ge [sflag:s10], $0x1400  }
0xb9: {  	p0 =	sgt.u32 s9, $0x3C;
	[sflag:s10] =	ssyncset.done $0x0  }
0xba: {  	s20 =	sadd.s32 $0xA00, s19;
	[sflag:s10] =	ssyncadd.s32 $0xFFFFEC00;
	s10 =	simm.s32 $0x18C80  }
0xbb: {  	[hbm4b:s20+s26] =	stream.strided.scatter [tilespmem:s10], [sflag:$0x15], $0x1400, s28, s26, $0x38;
	[tilespmem:$0x1DC80] =	vst v63  }
0xbc: {  	s2 =	rddreg [dreg:$0x12];
	s10 =	sadd.s32 $0xA80, s19;
	s20 =	simm.s32 $0x1A080  }
0xbd: {  	[hbm4b:s10+s26] =	stream.strided.scatter [tilespmem:s20], [sflag:$0x16], $0x1400, s28, s26, $0x38;
	[tilespmem:$0x1DC80] =	vst v63  }
0xbe: {  	s2 =	sadd.s32 @!p0 s4, s2;
	s10 =	simm.s32 @!p0 $0x0;
	s20 =	simm.s32 @!p0 $0x13A80  }
0xbf: {  	[tilespmem:s20], [sflag:$0x5] =	stream.linear.gather @!p0 [hbm4b:s2+s10], $0x28, $0x38;
	[tilespmem:$0x1DC80] =	vst v63  }
0xc0: {  	s2 =	rddreg [dreg:$0x13]  }
0xc1: {  	s20 =	simm.s32 @!p0 $0x13B00;
	s2 =	sadd.s32 @!p0 s4, s2  }
0xc2: {  	[tilespmem:s20], [sflag:$0x6] =	stream.linear.gather @!p0 [hbm4b:s2+s10], $0x28, $0x38;
	[tilespmem:$0x1DC80] =	vst v63  }
0xc3: {  	s20 =	simm.s32 $0x1  }
0xc4: {  	_ =	swait.ge [sflag:s20], $0x28  }
0xc5: {  	[sflag:s20] =	ssyncset.done $0x0  }
0xc6: {  	[sflag:s20] =	ssyncadd.s32 $0xFFFFFFD8  }
0xc7: {  	_ =	swait.ge [sflag:s0], $0x28  }
0xc8: {  	[sflag:s0] =	ssyncset.done $0x0  }
0xc9: {  	s20 =	simm.s32 $0x11;
	[sflag:s0] =	ssyncadd.s32 $0xFFFFFFD8  }
0xca: {  	_ =	swait.ge [sflag:s20], $0x1400  }
0xcb: {  	[sflag:s20] =	ssyncset.done $0x0  }
0xcc: {  	[sflag:s20] =	ssyncadd.s32 $0xFFFFEC00  }
0xcd: {  	_ =	swait.ge [sflag:s7], $0x1400  }
0xce: {  	[sflag:s7] =	ssyncset.done $0x0  }
0xcf: {  	s2 =	simm.s32 $0x13880;
	s20 =	simm.s32 $0x13C80;
	[sflag:s7] =	ssyncadd.s32 $0xFFFFEC00  }
0xd0: {  	[tilespmem:s20], [sflag:$0x9] =	stream.indirect.gather [spmem:s1], $0x80, s2, s11, $0xb8;
	[tilespmem:$0x1DC80] =	vst v63  }
0xd1: {  	s2 =	simm.s32 $0x13900;
	s20 =	simm.s32 $0x15080  }
0xd2: {  	[tilespmem:s20], [sflag:$0xA] =	stream.indirect.gather [spmem:s1], $0x80, s2, s11, $0xb8;
	[tilespmem:$0x1DC80] =	vst v63  }
0xd3: {  	s20 =	simm.s32 $0xF  }
0xd4: {  	_ =	swait.ge [sflag:s20], $0x1400  }
0xd5: {  	[sflag:s20] =	ssyncset.done $0x0  }
0xd6: {  	[sflag:s20] =	ssyncadd.s32 $0xFFFFEC00;
	s20 =	simm.s32 $0x10  }
0xd7: {  	_ =	swait.ge [sflag:s20], $0x1400  }
0xd8: {  	[sflag:s20] =	ssyncset.done $0x0  }
0xd9: {  	[sflag:s20] =	ssyncadd.s32 $0xFFFFEC00;
	s20 =	sadd.s32 $0xF00, s19  }
0xda: {  	[hbm4b:s20+s26] =	stream.strided.scatter [tilespmem:s14], [sflag:$0x17], $0x1400, s28, s26, $0x38;
	[tilespmem:$0x1DC80] =	vst v63  }
0xdb: {  	s2 =	rddreg [dreg:$0x10];
	s19 =	sadd.s32 $0xF80, s19  }
0xdc: {  	[hbm4b:s19+s26] =	stream.strided.scatter [tilespmem:s6], [sflag:$0x18], $0x1400, s28, s26, $0x38;
	[tilespmem:$0x1DC80] =	vst v63  }
0xdd: {  	s2 =	sadd.s32 @!p0 s4, s2;
	s19 =	simm.s32 @!p0 $0x13B80  }
0xde: {  	[tilespmem:s19], [sflag:$0x7] =	stream.linear.gather @!p0 [hbm4b:s2+s10], $0x28, $0x38;
	[tilespmem:$0x1DC80] =	vst v63  }
0xdf: {  	s2 =	rddreg [dreg:$0x11]  }
0xe0: {  	s20 =	simm.s32 $0x3;
	s19 =	simm.s32 @!p0 $0x13C00;
	s2 =	sadd.s32 @!p0 s4, s2  }
0xe1: {  	[tilespmem:s19], [sflag:$0x8] =	stream.linear.gather @!p0 [hbm4b:s2+s10], $0x28, $0x38;
	[tilespmem:$0x1DC80] =	vst v63  }
0xe2: {  	_ =	swait.ge [sflag:s20], $0x28  }
0xe3: {  	[sflag:s20] =	ssyncset.done $0x0  }
0xe4: {  	s10 =	simm.s32 $0x4;
	[sflag:s20] =	ssyncadd.s32 $0xFFFFFFD8  }
0xe5: {  	_ =	swait.ge [sflag:s10], $0x28  }
0xe6: {  	[sflag:s10] =	ssyncset.done $0x0  }
0xe7: {  	[sflag:s10] =	ssyncadd.s32 $0xFFFFFFD8  }
0xe8: {  	_ =	swait.ge [sflag:s30], $0x1400  }
0xe9: {  	[sflag:s30] =	ssyncset.done $0x0  }
0xea: {  	[sflag:s30] =	ssyncadd.s32 $0xFFFFEC00  }
0xeb: {  	_ =	swait.ge [sflag:s31], $0x1400  }
.Ltmp6:
0xec: {  	[sflag:s31] =	ssyncset.done $0x0;
	(pc) =	sbr.rel .LBB2_5-.Ltmp6, $4  }
0xed: {  	s19 =	simm.s32 $0x16480;
	[sflag:s31] =	ssyncadd.s32 $0xFFFFEC00  }
0xee: {  	[tilespmem:s19], [sflag:$0xB] =	stream.indirect.gather [spmem:s1], $0x80, s12, s11, $0xb8;
	[tilespmem:$0x1DC80] =	vst v63  }
0xef: {  	s20 =	simm.s32 $0x17880  }
0xf0: {  	[tilespmem:s20], [sflag:$0xC] =	stream.indirect.gather [spmem:s1], $0x80, s8, s11, $0xb8;
	[tilespmem:$0x1DC80] =	vst v63  }
.LBB2_7:
0xf1: {  	_ =	sfence.sel $0x180000  }
0xf2: {  	[bflag:$0x0] =	sbarrier.arrive $0xFFFF  }
0xf3: {  	_ =	strace $0x90000047  }
0xf4: {  	s0 =	stileid.u32;
	[bflag:$0x2] =	sbarrier.arrive $0xFFFF  }
0xf5: {  	p0 =	sne.s32 s0, $0x0;
	s0 =	rddreg [dreg:$0x4]  }
0xf6: {  	s0 =	sadd.s32 @!p0 $0x100000, s0  }
0xf7: {  	[sflag:s0] =	ssyncadd.tile.s32 @!p0 $0x1;
	_ =	shalt  }
.Lfunc_end2:
_tile_overlayer_lowered:
.L_overlay_start_2:
0xf8: {  	(tag) =	ssettag $0x2  }
0xf9: {  	s0 =	rddreg [dreg:$0x0];
	s2 =	stileid.u32  }
0xfa: {  	s1 =	rddreg [dreg:$0x1];
	p0 =	sne.s32 s2, $0x0  }
0xfb: {  	s3 =	rddreg [dreg:$0x2];
	[bflag:$0x3] =	sbarrier.arrive $0xFFFF;
	s2 =	simm.s32 @!p0 $0x1C19  }
0xfc: {  	[timem:s3], [sflag:s2] =	dma.local @!p0 [hbm:s0], s1  }
0xfd: {  	s0 =	simm.s32 @!p0 $0x19  }
0xfe: {  	_ =	swait.ge @!p0 [sflag:s0], s1  }
0xff: {  	s1 =	ssub.s32 @!p0 $0x0, s1;
	[sflag:s0] =	ssyncset.done @!p0 $0x0  }
0x100: {  	[sflag:s0] =	ssyncadd.s32 @!p0 s1  }
0x101: {  	[bflag:$0x3] =	sbarrier.arrive $0xFFFF  }
0x102: {  	_ =	shalt  }

</sc_bundles>
